<compile_context>
chip_gen: v7x
topology: tpu7x:2x2x1
jax: 0.10.2.dev20260603
libtpu: 0.0.44.dev20260713+nightly
codegen_flags: <defaults>
</compile_context>

<pallas_src>
import functools

import jax
import jax.numpy as jnp
from jax import lax
from jax.experimental import pallas as pl
from jax.experimental.pallas import tpu as pltpu
from jax.experimental.pallas import tpu_sc as plsc

N = 10000
E = 320000
D = 128
G = 64

NC = 2
NS = 16
NW = NC * NS
EPW = E // NW
CH = 128
NFULL = EPW // CH
TAIL = EPW - NFULL * CH

@functools.cache
def _make_sc_aggregate():
    mesh = plsc.VectorSubcoreMesh(core_axis_name="c", subcore_axis_name="s")

    @functools.partial(
        pl.kernel,
        out_type=jax.ShapeDtypeStruct((NC, N, D), jnp.float32),
        mesh=mesh,
        scratch_types=[
            pltpu.VMEM((CH,), jnp.int32),
            pltpu.VMEM((CH,), jnp.int32),
            pltpu.VMEM((CH, D), jnp.float32),
            pltpu.VMEM((TAIL,), jnp.int32),
            pltpu.VMEM((TAIL,), jnp.int32),
            pltpu.VMEM((TAIL, D), jnp.float32),
            pltpu.VMEM_SHARED((N, D), jnp.float32),
            pltpu.SemaphoreType.DMA,
        ],
    )
    def _sc_aggregate(h_hbm, src_hbm, dst_hbm, zeros_hbm, out_hbm,
                      sidx, didx, rows, sidx_t, didx_t, rows_t, agg_sh, sem):
        cid = lax.axis_index("c")
        sid = lax.axis_index("s")
        wid = sid * NC + cid

        @pl.when(sid < 10)
        def _():
            pltpu.sync_copy(zeros_hbm.at[pl.ds(sid * 1000, 1000)],
                            agg_sh.at[pl.ds(sid * 1000, 1000)])

        plsc.subcore_barrier()

        def body(c, carry):
            base = wid * EPW + c * CH
            pltpu.sync_copy(src_hbm.at[pl.ds(base, CH)], sidx)
            pltpu.sync_copy(dst_hbm.at[pl.ds(base, CH)], didx)
            pltpu.async_copy(h_hbm.at[sidx], rows, sem).wait()
            pltpu.sync_copy(rows, agg_sh.at[didx], add=True)
            return carry

        lax.fori_loop(0, NFULL, body, 0)

        tbase = wid * EPW + NFULL * CH
        pltpu.sync_copy(src_hbm.at[pl.ds(tbase, TAIL)], sidx_t)
        pltpu.sync_copy(dst_hbm.at[pl.ds(tbase, TAIL)], didx_t)
        pltpu.async_copy(h_hbm.at[sidx_t], rows_t, sem).wait()
        pltpu.sync_copy(rows_t, agg_sh.at[didx_t], add=True)

        plsc.subcore_barrier()

        @pl.when(sid == 0)
        def _():
            pltpu.sync_copy(agg_sh, out_hbm.at[cid])

    return _sc_aggregate


BR = 1000
NBLK = N // BR


def _mlp_body(eps_ref, h_ref, p_ref, w1_ref, b1_ref, w2_ref, b2_ref, o_ref):
    eps = eps_ref[0, 0]
    u = (1.0 + eps) * h_ref[...] + p_ref[0] + p_ref[1]
    t = jnp.dot(u, w1_ref[...], preferred_element_type=jnp.float32)
    t = jnp.maximum(t + b1_ref[...], 0.0)
    o = jnp.dot(t, w2_ref[...], preferred_element_type=jnp.float32)
    o_ref[...] = jnp.maximum(o + b2_ref[...], 0.0)


def _mlp_final_body(eps_ref, h_ref, p_ref, w1_ref, b1_ref, w2_ref, b2_ref,
                    batch_ref, o_ref, r_ref):
    _mlp_body(eps_ref, h_ref, p_ref, w1_ref, b1_ref, w2_ref, b2_ref, o_ref)
    seg = lax.broadcasted_iota(jnp.int32, (G, BR), 0)
    onehot = (batch_ref[0] == seg).astype(jnp.float32)
    r = jnp.dot(onehot, o_ref[...], preferred_element_type=jnp.float32)
    step = pl.program_id(0)

    @pl.when(step == 0)
    def _():
        r_ref[...] = r

    @pl.when(step > 0)
    def _():
        r_ref[...] += r


def _tc_mlp(h, parts, w1, b1, w2, b2, eps):
    return pl.pallas_call(
        _mlp_body,
        grid=(NBLK,),
        in_specs=[
            pl.BlockSpec(memory_space=pltpu.SMEM),
            pl.BlockSpec((BR, D), lambda i: (i, 0)),
            pl.BlockSpec((NC, BR, D), lambda i: (0, i, 0)),
            pl.BlockSpec((D, D), lambda i: (0, 0)),
            pl.BlockSpec((D,), lambda i: (0,)),
            pl.BlockSpec((D, D), lambda i: (0, 0)),
            pl.BlockSpec((D,), lambda i: (0,)),
        ],
        out_specs=pl.BlockSpec((BR, D), lambda i: (i, 0)),
        out_shape=jax.ShapeDtypeStruct((N, D), jnp.float32),
    )(eps.reshape(1, 1), h, parts, w1, b1, w2, b2)


def _tc_mlp_final(h, parts, w1, b1, w2, b2, eps, batch3):
    return pl.pallas_call(
        _mlp_final_body,
        grid=(NBLK,),
        in_specs=[
            pl.BlockSpec(memory_space=pltpu.SMEM),
            pl.BlockSpec((BR, D), lambda i: (i, 0)),
            pl.BlockSpec((NC, BR, D), lambda i: (0, i, 0)),
            pl.BlockSpec((D, D), lambda i: (0, 0)),
            pl.BlockSpec((D,), lambda i: (0,)),
            pl.BlockSpec((D, D), lambda i: (0, 0)),
            pl.BlockSpec((D,), lambda i: (0,)),
            pl.BlockSpec((1, 1, BR), lambda i: (i, 0, 0)),
        ],
        out_specs=[
            pl.BlockSpec((BR, D), lambda i: (i, 0)),
            pl.BlockSpec((G, D), lambda i: (0, 0)),
        ],
        out_shape=[
            jax.ShapeDtypeStruct((N, D), jnp.float32),
            jax.ShapeDtypeStruct((G, D), jnp.float32),
        ],
    )(eps.reshape(1, 1), h, parts, w1, b1, w2, b2, batch3)


def kernel(x, edge_index, batch,
           W1_0, b1_0, W2_0, b2_0, eps_0,
           W1_1, b1_1, W2_1, b2_1, eps_1,
           W1_2, b1_2, W2_2, b2_2, eps_2):
    src = edge_index[0]
    dst = edge_index[1]
    zeros = jnp.zeros((N, D), jnp.float32)
    batch3 = batch.reshape(NBLK, 1, BR)
    params = [
        (W1_0, b1_0, W2_0, b2_0, eps_0),
        (W1_1, b1_1, W2_1, b2_1, eps_1),
        (W1_2, b1_2, W2_2, b2_2, eps_2),
    ]
    h = x
    for i, (w1, b1, w2, b2, eps) in enumerate(params):
        parts = _make_sc_aggregate()(h, src, dst, zeros)
        if i < 2:
            h = _tc_mlp(h, parts, w1, b1, w2, b2, eps)
        else:
            h, out = _tc_mlp_final(h, parts, w1, b1, w2, b2, eps, batch3)
    return out

# --- scband reference (transcript-rebuilt; emitter-appended) ---
"""Pipeline reference for scband-graph-encoder-15126874817010 (READ-ONLY COPY).

The authoritative reference and input builder live on the scoring server;
editing this copy changes nothing except your own understanding.
"""

import jax, jax.numpy as jnp
import numpy as np

N = 10000
E = 320000
D = 128
H = 128
L = 3
G = 64


def setup_inputs(seed: int = 0) -> dict:
    key = jax.random.key(seed)
    ks = jax.random.split(key, 4 + 5 * L)
    inp = {}
    inp["x"] = jax.random.normal(ks[0], (N, D), dtype=jnp.float32)
    inp["edge_index"] = jax.random.randint(ks[1], (2, E), 0, N, dtype=jnp.int32)
    inp["batch"] = jnp.sort(jax.random.randint(ks[2], (N,), 0, G, dtype=jnp.int32))
    for i in range(L):
        fan_in = D if i == 0 else H
        inp[f"W1_{i}"] = jax.random.normal(ks[3 + 5 * i], (fan_in, H), dtype=jnp.float32) * (1.0 / np.sqrt(fan_in))
        inp[f"b1_{i}"] = jnp.zeros((H,), dtype=jnp.float32)
        inp[f"W2_{i}"] = jax.random.normal(ks[4 + 5 * i], (H, H), dtype=jnp.float32) * (1.0 / np.sqrt(H))
        inp[f"b2_{i}"] = jnp.zeros((H,), dtype=jnp.float32)
        inp[f"eps_{i}"] = jnp.zeros((), dtype=jnp.float32)
    return inp


def _forward(x, params, edge_index, batch):
    src = edge_index[0]
    dst = edge_index[1]
    h = x
    for (W1, b1, W2, b2, eps) in params:
        # GIN aggregation: sum of neighbor features via gather + scatter-add
        msgs = jnp.take(h, src, axis=0)
        agg = jax.ops.segment_sum(msgs, dst, num_segments=N)
        h = (1.0 + eps) * h + agg
        h = jax.nn.relu(h @ W1 + b1)
        h = jax.nn.relu(h @ W2 + b2)
    # sum readout per graph
    return jax.ops.segment_sum(h, batch, num_segments=G)


def reference(x, edge_index, batch,
              W1_0, b1_0, W2_0, b2_0, eps_0,
              W1_1, b1_1, W2_1, b2_1, eps_1,
              W1_2, b1_2, W2_2, b2_2, eps_2):
    plist = [
        (W1_0, b1_0, W2_0, b2_0, eps_0),
        (W1_1, b1_1, W2_1, b2_1, eps_1),
        (W1_2, b1_2, W2_2, b2_2, eps_2),
    ]
    return _forward(x, plist, edge_index, batch)

if __name__ == "__main__":
    import jax
    _d = setup_inputs()
    print(jax.jit(kernel)(*tuple(_d.values())))

</pallas_src>

<mosaic_0001>
#map = affine_map<(d0, d1) -> (0, 0)>
#map1 = affine_map<(d0, d1) -> (0)>
#map2 = affine_map<(d0, d1) -> (0, 0, 0)>
module attributes {stable_mosaic.version = 14 : i64} {
  func.func @_sc_aggregate(%arg0: i32, %arg1: i32, %arg2: memref<10000x128xf32, #tpu.memory_space<hbm>>, %arg3: memref<320000xi32, #tpu.memory_space<hbm>>, %arg4: memref<320000xi32, #tpu.memory_space<hbm>>, %arg5: memref<10000x128xf32, #tpu.memory_space<hbm>>, %arg6: memref<2x10000x128xf32, #tpu.memory_space<hbm>>, %arg7: memref<128xi32, #tpu.memory_space<vmem>>, %arg8: memref<128xi32, #tpu.memory_space<vmem>>, %arg9: memref<128x128xf32, #tpu.memory_space<vmem>>, %arg10: memref<16xi32, #tpu.memory_space<vmem>>, %arg11: memref<16xi32, #tpu.memory_space<vmem>>, %arg12: memref<16x128xf32, #tpu.memory_space<vmem>>, %arg13: memref<10000x128xf32, #tpu.memory_space<vmem_shared>>, %arg14: memref<!tpu.dma_semaphore, #tpu.memory_space<semaphore_mem>>) attributes {dimension_semantics = [#tpu.dimension_semantics<core_parallel>, #tpu.dimension_semantics<subcore_parallel>], iteration_bounds = array<i64: 2, 16>, scalar_prefetch = 0 : i64, scratch_operands = 8 : i64, tpu.core_type = #tpu.core_type<sc_vector_subcore>, window_params = [{transform_indices = #map}, {transform_indices = #map1}, {transform_indices = #map1}, {transform_indices = #map}, {transform_indices = #map2}]} {
    %mul3A = arith.constant 2 : i32
    %mul3A_0 = arith.muli %arg1, %mul3A : i32
    %add3A = arith.addi %mul3A_0, %arg0 : i32
    %lt3A = arith.constant 10 : i32
    %lt3A_1 = arith.cmpi slt, %arg1, %lt3A : i32
    %convert_element_type3A = arith.extui %lt3A_1 : i1 to i32
    %cond3A = arith.constant 0 : i32
    %cond3A_2 = arith.cmpi ne, %convert_element_type3A, %cond3A : i32
    scf.if %cond3A_2 {
      %mul3A_21 = arith.constant 1000 : i32
      %mul3A_22 = arith.muli %arg1, %mul3A_21 : i32
      %mul3A_23 = arith.constant 1000 : i32
      %mul3A_24 = arith.muli %arg1, %mul3A_23 : i32
      "tpu.region"() ({
        %run_scoped3A = tpu.sem_alloc : memref<!tpu.dma_semaphore, #tpu.memory_space<semaphore_mem>>
        %dma_start3A_25 = arith.constant 0 : i32
        %dma_start3A_26 = tpu.memref_slice %arg13[%mul3A_24, %dma_start3A_25] : memref<10000x128xf32, #tpu.memory_space<vmem_shared>> -> memref<1000x128xf32, #tpu.memory_space<vmem_shared>>
        %dma_start3A_27 = arith.constant 0 : i32
        %dma_start3A_28 = tpu.memref_slice %arg5[%mul3A_22, %dma_start3A_27] : memref<10000x128xf32, #tpu.memory_space<hbm>> -> memref<1000x128xf32, #tpu.memory_space<hbm>>
        tpu.enqueue_dma source(%dma_start3A_28 : memref<1000x128xf32, #tpu.memory_space<hbm>>) target(%dma_start3A_26 : memref<1000x128xf32, #tpu.memory_space<vmem_shared>>) target_semaphore(%run_scoped3A : memref<!tpu.dma_semaphore, #tpu.memory_space<semaphore_mem>>)
        %dma_wait3A_29 = arith.constant 0 : i32
        %dma_wait3A_30 = tpu.memref_slice %arg13[%mul3A_24, %dma_wait3A_29] : memref<10000x128xf32, #tpu.memory_space<vmem_shared>> -> memref<1000x128xf32, #tpu.memory_space<vmem_shared>>
        %dma_wait3A_31 = arith.constant 0 : i32
        %dma_wait3A_32 = tpu.memref_slice %arg5[%mul3A_22, %dma_wait3A_31] : memref<10000x128xf32, #tpu.memory_space<hbm>> -> memref<1000x128xf32, #tpu.memory_space<hbm>>
        tpu.wait_dma2 semaphore(%run_scoped3A : memref<!tpu.dma_semaphore, #tpu.memory_space<semaphore_mem>>) src(%dma_wait3A_32 : memref<1000x128xf32, #tpu.memory_space<hbm>>) dst(%dma_wait3A_30 : memref<1000x128xf32, #tpu.memory_space<vmem_shared>>)
        tpu.yield
      }) : () -> ()
    } else {
    }
    %barrier3A = arith.constant 0 : index
    tpu.barrier barrier_id(%barrier3A)
    %scan3A = arith.constant 0 : i32
    %scan3A_3 = arith.constant 0 : i32
    %scan3A_4 = arith.constant 78 : i32
    %scan3A_5 = arith.addi %scan3A_3, %scan3A_4 : i32
    %scan3A_6 = arith.constant 1 : i32
    scf.for %scan3A_21 = %scan3A_3 to %scan3A_5 step %scan3A_6  : i32 {
      %mul3A_22 = arith.constant 10000 : i32
      %mul3A_23 = arith.muli %add3A, %mul3A_22 : i32
      %mul3A_24 = arith.constant 128 : i32
      %mul3A_25 = arith.muli %scan3A_21, %mul3A_24 : i32
      %add3A_26 = arith.addi %mul3A_23, %mul3A_25 : i32
      "tpu.region"() ({
        %run_scoped3A = tpu.sem_alloc : memref<!tpu.dma_semaphore, #tpu.memory_space<semaphore_mem>>
        %dma_start3A_33 = tpu.memref_slice %arg3[%add3A_26] : memref<320000xi32, #tpu.memory_space<hbm>> -> memref<128xi32, #tpu.memory_space<hbm>>
        %dma_start3A_34 = tpu.memref_slice %arg3[%add3A_26] : memref<320000xi32, #tpu.memory_space<hbm>> -> memref<128xi32, #tpu.memory_space<hbm>>
        tpu.enqueue_dma source(%dma_start3A_34 : memref<128xi32, #tpu.memory_space<hbm>>) target(%arg7 : memref<128xi32, #tpu.memory_space<vmem>>) target_semaphore(%run_scoped3A : memref<!tpu.dma_semaphore, #tpu.memory_space<semaphore_mem>>)
        %dma_wait3A_35 = tpu.memref_slice %arg3[%add3A_26] : memref<320000xi32, #tpu.memory_space<hbm>> -> memref<128xi32, #tpu.memory_space<hbm>>
        %dma_wait3A_36 = tpu.memref_slice %arg3[%add3A_26] : memref<320000xi32, #tpu.memory_space<hbm>> -> memref<128xi32, #tpu.memory_space<hbm>>
        tpu.wait_dma2 semaphore(%run_scoped3A : memref<!tpu.dma_semaphore, #tpu.memory_space<semaphore_mem>>) src(%dma_wait3A_36 : memref<128xi32, #tpu.memory_space<hbm>>) dst(%arg7 : memref<128xi32, #tpu.memory_space<vmem>>)
        tpu.yield
      }) : () -> ()
      "tpu.region"() ({
        %run_scoped3A = tpu.sem_alloc : memref<!tpu.dma_semaphore, #tpu.memory_space<semaphore_mem>>
        %dma_start3A_33 = tpu.memref_slice %arg4[%add3A_26] : memref<320000xi32, #tpu.memory_space<hbm>> -> memref<128xi32, #tpu.memory_space<hbm>>
        %dma_start3A_34 = tpu.memref_slice %arg4[%add3A_26] : memref<320000xi32, #tpu.memory_space<hbm>> -> memref<128xi32, #tpu.memory_space<hbm>>
        tpu.enqueue_dma source(%dma_start3A_34 : memref<128xi32, #tpu.memory_space<hbm>>) target(%arg8 : memref<128xi32, #tpu.memory_space<vmem>>) target_semaphore(%run_scoped3A : memref<!tpu.dma_semaphore, #tpu.memory_space<semaphore_mem>>)
        %dma_wait3A_35 = tpu.memref_slice %arg4[%add3A_26] : memref<320000xi32, #tpu.memory_space<hbm>> -> memref<128xi32, #tpu.memory_space<hbm>>
        %dma_wait3A_36 = tpu.memref_slice %arg4[%add3A_26] : memref<320000xi32, #tpu.memory_space<hbm>> -> memref<128xi32, #tpu.memory_space<hbm>>
        tpu.wait_dma2 semaphore(%run_scoped3A : memref<!tpu.dma_semaphore, #tpu.memory_space<semaphore_mem>>) src(%dma_wait3A_36 : memref<128xi32, #tpu.memory_space<hbm>>) dst(%arg8 : memref<128xi32, #tpu.memory_space<vmem>>)
        tpu.yield
      }) : () -> ()
      %dma_start3A_27 = arith.constant 0 : i32
      %dma_start3A_28 = arith.constant 0 : i32
      %dma_start3A_29 = tpu.memref_slice %arg2[%dma_start3A_27, %dma_start3A_28] : memref<10000x128xf32, #tpu.memory_space<hbm>> -> memref<10000x128xf32, #tpu.memory_space<hbm>>
      tpu.enqueue_indirect_dma source(%dma_start3A_29 : memref<10000x128xf32, #tpu.memory_space<hbm>>) target(%arg9 : memref<128x128xf32, #tpu.memory_space<vmem>>) offsets(%arg7 : memref<128xi32, #tpu.memory_space<vmem>>) semaphore(%arg14 : memref<!tpu.dma_semaphore, #tpu.memory_space<semaphore_mem>>)
      %dma_wait3A_30 = arith.constant 0 : i32
      %dma_wait3A_31 = arith.constant 0 : i32
      %dma_wait3A_32 = tpu.memref_slice %arg2[%dma_wait3A_30, %dma_wait3A_31] : memref<10000x128xf32, #tpu.memory_space<hbm>> -> memref<10000x128xf32, #tpu.memory_space<hbm>>
      tpu.wait_indirect_dma semaphore(%arg14 : memref<!tpu.dma_semaphore, #tpu.memory_space<semaphore_mem>>) src(%dma_wait3A_32 : memref<10000x128xf32, #tpu.memory_space<hbm>>) dst(%arg9 : memref<128x128xf32, #tpu.memory_space<vmem>>)
      "tpu.region"() ({
        %run_scoped3A = tpu.sem_alloc : memref<!tpu.dma_semaphore, #tpu.memory_space<semaphore_mem>>
        %dma_start3A_33 = arith.constant 0 : i32
        %dma_start3A_34 = arith.constant 0 : i32
        %dma_start3A_35 = tpu.memref_slice %arg13[%dma_start3A_33, %dma_start3A_34] : memref<10000x128xf32, #tpu.memory_space<vmem_shared>> -> memref<10000x128xf32, #tpu.memory_space<vmem_shared>>
        tpu.enqueue_indirect_dma source(%arg9 : memref<128x128xf32, #tpu.memory_space<vmem>>) target(%dma_start3A_35 : memref<10000x128xf32, #tpu.memory_space<vmem_shared>>) offsets(%arg8 : memref<128xi32, #tpu.memory_space<vmem>>) semaphore(%run_scoped3A : memref<!tpu.dma_semaphore, #tpu.memory_space<semaphore_mem>>) {add = true}
        %dma_wait3A_36 = arith.constant 0 : i32
        %dma_wait3A_37 = arith.constant 0 : i32
        %dma_wait3A_38 = tpu.memref_slice %arg13[%dma_wait3A_36, %dma_wait3A_37] : memref<10000x128xf32, #tpu.memory_space<vmem_shared>> -> memref<10000x128xf32, #tpu.memory_space<vmem_shared>>
        tpu.wait_indirect_dma semaphore(%run_scoped3A : memref<!tpu.dma_semaphore, #tpu.memory_space<semaphore_mem>>) src(%arg9 : memref<128x128xf32, #tpu.memory_space<vmem>>) dst(%dma_wait3A_38 : memref<10000x128xf32, #tpu.memory_space<vmem_shared>>)
        tpu.yield
      }) : () -> ()
    }
    %scan3A_7 = arith.constant 78 : i32
    %mul3A_8 = arith.constant 10000 : i32
    %mul3A_9 = arith.muli %add3A, %mul3A_8 : i32
    %add3A_10 = arith.constant 9984 : i32
    %add3A_11 = arith.addi %mul3A_9, %add3A_10 : i32
    "tpu.region"() ({
      %run_scoped3A = tpu.sem_alloc : memref<!tpu.dma_semaphore, #tpu.memory_space<semaphore_mem>>
      %dma_start3A_21 = tpu.memref_slice %arg3[%add3A_11] : memref<320000xi32, #tpu.memory_space<hbm>> -> memref<16xi32, #tpu.memory_space<hbm>>
      %dma_start3A_22 = tpu.memref_slice %arg3[%add3A_11] : memref<320000xi32, #tpu.memory_space<hbm>> -> memref<16xi32, #tpu.memory_space<hbm>>
      tpu.enqueue_dma source(%dma_start3A_22 : memref<16xi32, #tpu.memory_space<hbm>>) target(%arg10 : memref<16xi32, #tpu.memory_space<vmem>>) target_semaphore(%run_scoped3A : memref<!tpu.dma_semaphore, #tpu.memory_space<semaphore_mem>>)
      %dma_wait3A_23 = tpu.memref_slice %arg3[%add3A_11] : memref<320000xi32, #tpu.memory_space<hbm>> -> memref<16xi32, #tpu.memory_space<hbm>>
      %dma_wait3A_24 = tpu.memref_slice %arg3[%add3A_11] : memref<320000xi32, #tpu.memory_space<hbm>> -> memref<16xi32, #tpu.memory_space<hbm>>
      tpu.wait_dma2 semaphore(%run_scoped3A : memref<!tpu.dma_semaphore, #tpu.memory_space<semaphore_mem>>) src(%dma_wait3A_24 : memref<16xi32, #tpu.memory_space<hbm>>) dst(%arg10 : memref<16xi32, #tpu.memory_space<vmem>>)
      tpu.yield
    }) : () -> ()
    "tpu.region"() ({
      %run_scoped3A = tpu.sem_alloc : memref<!tpu.dma_semaphore, #tpu.memory_space<semaphore_mem>>
      %dma_start3A_21 = tpu.memref_slice %arg4[%add3A_11] : memref<320000xi32, #tpu.memory_space<hbm>> -> memref<16xi32, #tpu.memory_space<hbm>>
      %dma_start3A_22 = tpu.memref_slice %arg4[%add3A_11] : memref<320000xi32, #tpu.memory_space<hbm>> -> memref<16xi32, #tpu.memory_space<hbm>>
      tpu.enqueue_dma source(%dma_start3A_22 : memref<16xi32, #tpu.memory_space<hbm>>) target(%arg11 : memref<16xi32, #tpu.memory_space<vmem>>) target_semaphore(%run_scoped3A : memref<!tpu.dma_semaphore, #tpu.memory_space<semaphore_mem>>)
      %dma_wait3A_23 = tpu.memref_slice %arg4[%add3A_11] : memref<320000xi32, #tpu.memory_space<hbm>> -> memref<16xi32, #tpu.memory_space<hbm>>
      %dma_wait3A_24 = tpu.memref_slice %arg4[%add3A_11] : memref<320000xi32, #tpu.memory_space<hbm>> -> memref<16xi32, #tpu.memory_space<hbm>>
      tpu.wait_dma2 semaphore(%run_scoped3A : memref<!tpu.dma_semaphore, #tpu.memory_space<semaphore_mem>>) src(%dma_wait3A_24 : memref<16xi32, #tpu.memory_space<hbm>>) dst(%arg11 : memref<16xi32, #tpu.memory_space<vmem>>)
      tpu.yield
    }) : () -> ()
    %dma_start3A = arith.constant 0 : i32
    %dma_start3A_12 = arith.constant 0 : i32
    %dma_start3A_13 = tpu.memref_slice %arg2[%dma_start3A, %dma_start3A_12] : memref<10000x128xf32, #tpu.memory_space<hbm>> -> memref<10000x128xf32, #tpu.memory_space<hbm>>
    tpu.enqueue_indirect_dma source(%dma_start3A_13 : memref<10000x128xf32, #tpu.memory_space<hbm>>) target(%arg12 : memref<16x128xf32, #tpu.memory_space<vmem>>) offsets(%arg10 : memref<16xi32, #tpu.memory_space<vmem>>) semaphore(%arg14 : memref<!tpu.dma_semaphore, #tpu.memory_space<semaphore_mem>>)
    %dma_wait3A = arith.constant 0 : i32
    %dma_wait3A_14 = arith.constant 0 : i32
    %dma_wait3A_15 = tpu.memref_slice %arg2[%dma_wait3A, %dma_wait3A_14] : memref<10000x128xf32, #tpu.memory_space<hbm>> -> memref<10000x128xf32, #tpu.memory_space<hbm>>
    tpu.wait_indirect_dma semaphore(%arg14 : memref<!tpu.dma_semaphore, #tpu.memory_space<semaphore_mem>>) src(%dma_wait3A_15 : memref<10000x128xf32, #tpu.memory_space<hbm>>) dst(%arg12 : memref<16x128xf32, #tpu.memory_space<vmem>>)
    "tpu.region"() ({
      %run_scoped3A = tpu.sem_alloc : memref<!tpu.dma_semaphore, #tpu.memory_space<semaphore_mem>>
      %dma_start3A_21 = arith.constant 0 : i32
      %dma_start3A_22 = arith.constant 0 : i32
      %dma_start3A_23 = tpu.memref_slice %arg13[%dma_start3A_21, %dma_start3A_22] : memref<10000x128xf32, #tpu.memory_space<vmem_shared>> -> memref<10000x128xf32, #tpu.memory_space<vmem_shared>>
      tpu.enqueue_indirect_dma source(%arg12 : memref<16x128xf32, #tpu.memory_space<vmem>>) target(%dma_start3A_23 : memref<10000x128xf32, #tpu.memory_space<vmem_shared>>) offsets(%arg11 : memref<16xi32, #tpu.memory_space<vmem>>) semaphore(%run_scoped3A : memref<!tpu.dma_semaphore, #tpu.memory_space<semaphore_mem>>) {add = true}
      %dma_wait3A_24 = arith.constant 0 : i32
      %dma_wait3A_25 = arith.constant 0 : i32
      %dma_wait3A_26 = tpu.memref_slice %arg13[%dma_wait3A_24, %dma_wait3A_25] : memref<10000x128xf32, #tpu.memory_space<vmem_shared>> -> memref<10000x128xf32, #tpu.memory_space<vmem_shared>>
      tpu.wait_indirect_dma semaphore(%run_scoped3A : memref<!tpu.dma_semaphore, #tpu.memory_space<semaphore_mem>>) src(%arg12 : memref<16x128xf32, #tpu.memory_space<vmem>>) dst(%dma_wait3A_26 : memref<10000x128xf32, #tpu.memory_space<vmem_shared>>)
      tpu.yield
    }) : () -> ()
    %barrier3A_16 = arith.constant 0 : index
    tpu.barrier barrier_id(%barrier3A_16)
    %eq3A = arith.constant 0 : i32
    %eq3A_17 = arith.cmpi eq, %arg1, %eq3A : i32
    %convert_element_type3A_18 = arith.extui %eq3A_17 : i1 to i32
    %cond3A_19 = arith.constant 0 : i32
    %cond3A_20 = arith.cmpi ne, %convert_element_type3A_18, %cond3A_19 : i32
    scf.if %cond3A_20 {
      "tpu.region"() ({
        %run_scoped3A = tpu.sem_alloc : memref<!tpu.dma_semaphore, #tpu.memory_space<semaphore_mem>>
        %dma_start3A_21 = arith.constant 0 : i32
        %dma_start3A_22 = arith.constant 0 : i32
        %dma_start3A_23 = tpu.memref_slice %arg6[%arg0, %dma_start3A_21, %dma_start3A_22] : memref<2x10000x128xf32, #tpu.memory_space<hbm>> -> memref<1x10000x128xf32, #tpu.memory_space<hbm>>
        %dma_start3A_24 = tpu.memref_squeeze %dma_start3A_23 : memref<1x10000x128xf32, #tpu.memory_space<hbm>> -> memref<10000x128xf32, #tpu.memory_space<hbm>>
        tpu.enqueue_dma source(%arg13 : memref<10000x128xf32, #tpu.memory_space<vmem_shared>>) target(%dma_start3A_24 : memref<10000x128xf32, #tpu.memory_space<hbm>>) target_semaphore(%run_scoped3A : memref<!tpu.dma_semaphore, #tpu.memory_space<semaphore_mem>>)
        %dma_wait3A_25 = arith.constant 0 : i32
        %dma_wait3A_26 = arith.constant 0 : i32
        %dma_wait3A_27 = tpu.memref_slice %arg6[%arg0, %dma_wait3A_25, %dma_wait3A_26] : memref<2x10000x128xf32, #tpu.memory_space<hbm>> -> memref<1x10000x128xf32, #tpu.memory_space<hbm>>
        %dma_wait3A_28 = tpu.memref_squeeze %dma_wait3A_27 : memref<1x10000x128xf32, #tpu.memory_space<hbm>> -> memref<10000x128xf32, #tpu.memory_space<hbm>>
        tpu.wait_dma2 semaphore(%run_scoped3A : memref<!tpu.dma_semaphore, #tpu.memory_space<semaphore_mem>>) src(%arg13 : memref<10000x128xf32, #tpu.memory_space<vmem_shared>>) dst(%dma_wait3A_28 : memref<10000x128xf32, #tpu.memory_space<hbm>>)
        tpu.yield
      }) : () -> ()
    } else {
    }
    return
  }
}

#map = affine_map<(d0, d1) -> (0, 0)>
#map1 = affine_map<(d0, d1) -> (0)>
#map2 = affine_map<(d0, d1) -> (0, 0, 0)>
module attributes {stable_mosaic.version = 14 : i64} {
  func.func @_sc_aggregate(%arg0: i32, %arg1: i32, %arg2: memref<10000x128xf32, #tpu.memory_space<hbm>>, %arg3: memref<320000xi32, #tpu.memory_space<hbm>>, %arg4: memref<320000xi32, #tpu.memory_space<hbm>>, %arg5: memref<10000x128xf32, #tpu.memory_space<hbm>>, %arg6: memref<2x10000x128xf32, #tpu.memory_space<hbm>>, %arg7: memref<128xi32, #tpu.memory_space<vmem>>, %arg8: memref<128xi32, #tpu.memory_space<vmem>>, %arg9: memref<128x128xf32, #tpu.memory_space<vmem>>, %arg10: memref<16xi32, #tpu.memory_space<vmem>>, %arg11: memref<16xi32, #tpu.memory_space<vmem>>, %arg12: memref<16x128xf32, #tpu.memory_space<vmem>>, %arg13: memref<10000x128xf32, #tpu.memory_space<vmem_shared>>, %arg14: memref<!tpu.dma_semaphore, #tpu.memory_space<semaphore_mem>>) attributes {dimension_semantics = [#tpu.dimension_semantics<core_parallel>, #tpu.dimension_semantics<subcore_parallel>], iteration_bounds = array<i64: 2, 16>, scalar_prefetch = 0 : i64, scratch_operands = 8 : i64, tpu.core_type = #tpu.core_type<sc_vector_subcore>, window_params = [{transform_indices = #map}, {transform_indices = #map1}, {transform_indices = #map1}, {transform_indices = #map}, {transform_indices = #map2}]} {
    %mul3A = arith.constant 2 : i32
    %mul3A_0 = arith.muli %arg1, %mul3A : i32
    %add3A = arith.addi %mul3A_0, %arg0 : i32
    %lt3A = arith.constant 10 : i32
    %lt3A_1 = arith.cmpi slt, %arg1, %lt3A : i32
    %convert_element_type3A = arith.extui %lt3A_1 : i1 to i32
    %cond3A = arith.constant 0 : i32
    %cond3A_2 = arith.cmpi ne, %convert_element_type3A, %cond3A : i32
    scf.if %cond3A_2 {
      %mul3A_21 = arith.constant 1000 : i32
      %mul3A_22 = arith.muli %arg1, %mul3A_21 : i32
      %mul3A_23 = arith.constant 1000 : i32
      %mul3A_24 = arith.muli %arg1, %mul3A_23 : i32
      "tpu.region"() ({
        %run_scoped3A = tpu.sem_alloc : memref<!tpu.dma_semaphore, #tpu.memory_space<semaphore_mem>>
        %dma_start3A_25 = arith.constant 0 : i32
        %dma_start3A_26 = tpu.memref_slice %arg13[%mul3A_24, %dma_start3A_25] : memref<10000x128xf32, #tpu.memory_space<vmem_shared>> -> memref<1000x128xf32, #tpu.memory_space<vmem_shared>>
        %dma_start3A_27 = arith.constant 0 : i32
        %dma_start3A_28 = tpu.memref_slice %arg5[%mul3A_22, %dma_start3A_27] : memref<10000x128xf32, #tpu.memory_space<hbm>> -> memref<1000x128xf32, #tpu.memory_space<hbm>>
        tpu.enqueue_dma source(%dma_start3A_28 : memref<1000x128xf32, #tpu.memory_space<hbm>>) target(%dma_start3A_26 : memref<1000x128xf32, #tpu.memory_space<vmem_shared>>) target_semaphore(%run_scoped3A : memref<!tpu.dma_semaphore, #tpu.memory_space<semaphore_mem>>)
        %dma_wait3A_29 = arith.constant 0 : i32
        %dma_wait3A_30 = tpu.memref_slice %arg13[%mul3A_24, %dma_wait3A_29] : memref<10000x128xf32, #tpu.memory_space<vmem_shared>> -> memref<1000x128xf32, #tpu.memory_space<vmem_shared>>
        %dma_wait3A_31 = arith.constant 0 : i32
        %dma_wait3A_32 = tpu.memref_slice %arg5[%mul3A_22, %dma_wait3A_31] : memref<10000x128xf32, #tpu.memory_space<hbm>> -> memref<1000x128xf32, #tpu.memory_space<hbm>>
        tpu.wait_dma2 semaphore(%run_scoped3A : memref<!tpu.dma_semaphore, #tpu.memory_space<semaphore_mem>>) src(%dma_wait3A_32 : memref<1000x128xf32, #tpu.memory_space<hbm>>) dst(%dma_wait3A_30 : memref<1000x128xf32, #tpu.memory_space<vmem_shared>>)
        tpu.yield
      }) : () -> ()
    } else {
    }
    %barrier3A = arith.constant 0 : index
    tpu.barrier barrier_id(%barrier3A)
    %scan3A = arith.constant 0 : i32
    %scan3A_3 = arith.constant 0 : i32
    %scan3A_4 = arith.constant 78 : i32
    %scan3A_5 = arith.addi %scan3A_3, %scan3A_4 : i32
    %scan3A_6 = arith.constant 1 : i32
    scf.for %scan3A_21 = %scan3A_3 to %scan3A_5 step %scan3A_6  : i32 {
      %mul3A_22 = arith.constant 10000 : i32
      %mul3A_23 = arith.muli %add3A, %mul3A_22 : i32
      %mul3A_24 = arith.constant 128 : i32
      %mul3A_25 = arith.muli %scan3A_21, %mul3A_24 : i32
      %add3A_26 = arith.addi %mul3A_23, %mul3A_25 : i32
      "tpu.region"() ({
        %run_scoped3A = tpu.sem_alloc : memref<!tpu.dma_semaphore, #tpu.memory_space<semaphore_mem>>
        %dma_start3A_33 = tpu.memref_slice %arg3[%add3A_26] : memref<320000xi32, #tpu.memory_space<hbm>> -> memref<128xi32, #tpu.memory_space<hbm>>
        %dma_start3A_34 = tpu.memref_slice %arg3[%add3A_26] : memref<320000xi32, #tpu.memory_space<hbm>> -> memref<128xi32, #tpu.memory_space<hbm>>
        tpu.enqueue_dma source(%dma_start3A_34 : memref<128xi32, #tpu.memory_space<hbm>>) target(%arg7 : memref<128xi32, #tpu.memory_space<vmem>>) target_semaphore(%run_scoped3A : memref<!tpu.dma_semaphore, #tpu.memory_space<semaphore_mem>>)
        %dma_wait3A_35 = tpu.memref_slice %arg3[%add3A_26] : memref<320000xi32, #tpu.memory_space<hbm>> -> memref<128xi32, #tpu.memory_space<hbm>>
        %dma_wait3A_36 = tpu.memref_slice %arg3[%add3A_26] : memref<320000xi32, #tpu.memory_space<hbm>> -> memref<128xi32, #tpu.memory_space<hbm>>
        tpu.wait_dma2 semaphore(%run_scoped3A : memref<!tpu.dma_semaphore, #tpu.memory_space<semaphore_mem>>) src(%dma_wait3A_36 : memref<128xi32, #tpu.memory_space<hbm>>) dst(%arg7 : memref<128xi32, #tpu.memory_space<vmem>>)
        tpu.yield
      }) : () -> ()
      "tpu.region"() ({
        %run_scoped3A = tpu.sem_alloc : memref<!tpu.dma_semaphore, #tpu.memory_space<semaphore_mem>>
        %dma_start3A_33 = tpu.memref_slice %arg4[%add3A_26] : memref<320000xi32, #tpu.memory_space<hbm>> -> memref<128xi32, #tpu.memory_space<hbm>>
        %dma_start3A_34 = tpu.memref_slice %arg4[%add3A_26] : memref<320000xi32, #tpu.memory_space<hbm>> -> memref<128xi32, #tpu.memory_space<hbm>>
        tpu.enqueue_dma source(%dma_start3A_34 : memref<128xi32, #tpu.memory_space<hbm>>) target(%arg8 : memref<128xi32, #tpu.memory_space<vmem>>) target_semaphore(%run_scoped3A : memref<!tpu.dma_semaphore, #tpu.memory_space<semaphore_mem>>)
        %dma_wait3A_35 = tpu.memref_slice %arg4[%add3A_26] : memref<320000xi32, #tpu.memory_space<hbm>> -> memref<128xi32, #tpu.memory_space<hbm>>
        %dma_wait3A_36 = tpu.memref_slice %arg4[%add3A_26] : memref<320000xi32, #tpu.memory_space<hbm>> -> memref<128xi32, #tpu.memory_space<hbm>>
        tpu.wait_dma2 semaphore(%run_scoped3A : memref<!tpu.dma_semaphore, #tpu.memory_space<semaphore_mem>>) src(%dma_wait3A_36 : memref<128xi32, #tpu.memory_space<hbm>>) dst(%arg8 : memref<128xi32, #tpu.memory_space<vmem>>)
        tpu.yield
      }) : () -> ()
      %dma_start3A_27 = arith.constant 0 : i32
      %dma_start3A_28 = arith.constant 0 : i32
      %dma_start3A_29 = tpu.memref_slice %arg2[%dma_start3A_27, %dma_start3A_28] : memref<10000x128xf32, #tpu.memory_space<hbm>> -> memref<10000x128xf32, #tpu.memory_space<hbm>>
      tpu.enqueue_indirect_dma source(%dma_start3A_29 : memref<10000x128xf32, #tpu.memory_space<hbm>>) target(%arg9 : memref<128x128xf32, #tpu.memory_space<vmem>>) offsets(%arg7 : memref<128xi32, #tpu.memory_space<vmem>>) semaphore(%arg14 : memref<!tpu.dma_semaphore, #tpu.memory_space<semaphore_mem>>)
      %dma_wait3A_30 = arith.constant 0 : i32
      %dma_wait3A_31 = arith.constant 0 : i32
      %dma_wait3A_32 = tpu.memref_slice %arg2[%dma_wait3A_30, %dma_wait3A_31] : memref<10000x128xf32, #tpu.memory_space<hbm>> -> memref<10000x128xf32, #tpu.memory_space<hbm>>
      tpu.wait_indirect_dma semaphore(%arg14 : memref<!tpu.dma_semaphore, #tpu.memory_space<semaphore_mem>>) src(%dma_wait3A_32 : memref<10000x128xf32, #tpu.memory_space<hbm>>) dst(%arg9 : memref<128x128xf32, #tpu.memory_space<vmem>>)
      "tpu.region"() ({
        %run_scoped3A = tpu.sem_alloc : memref<!tpu.dma_semaphore, #tpu.memory_space<semaphore_mem>>
        %dma_start3A_33 = arith.constant 0 : i32
        %dma_start3A_34 = arith.constant 0 : i32
        %dma_start3A_35 = tpu.memref_slice %arg13[%dma_start3A_33, %dma_start3A_34] : memref<10000x128xf32, #tpu.memory_space<vmem_shared>> -> memref<10000x128xf32, #tpu.memory_space<vmem_shared>>
        tpu.enqueue_indirect_dma source(%arg9 : memref<128x128xf32, #tpu.memory_space<vmem>>) target(%dma_start3A_35 : memref<10000x128xf32, #tpu.memory_space<vmem_shared>>) offsets(%arg8 : memref<128xi32, #tpu.memory_space<vmem>>) semaphore(%run_scoped3A : memref<!tpu.dma_semaphore, #tpu.memory_space<semaphore_mem>>) {add = true}
        %dma_wait3A_36 = arith.constant 0 : i32
        %dma_wait3A_37 = arith.constant 0 : i32
        %dma_wait3A_38 = tpu.memref_slice %arg13[%dma_wait3A_36, %dma_wait3A_37] : memref<10000x128xf32, #tpu.memory_space<vmem_shared>> -> memref<10000x128xf32, #tpu.memory_space<vmem_shared>>
        tpu.wait_indirect_dma semaphore(%run_scoped3A : memref<!tpu.dma_semaphore, #tpu.memory_space<semaphore_mem>>) src(%arg9 : memref<128x128xf32, #tpu.memory_space<vmem>>) dst(%dma_wait3A_38 : memref<10000x128xf32, #tpu.memory_space<vmem_shared>>)
        tpu.yield
      }) : () -> ()
    }
    %scan3A_7 = arith.constant 78 : i32
    %mul3A_8 = arith.constant 10000 : i32
    %mul3A_9 = arith.muli %add3A, %mul3A_8 : i32
    %add3A_10 = arith.constant 9984 : i32
    %add3A_11 = arith.addi %mul3A_9, %add3A_10 : i32
    "tpu.region"() ({
      %run_scoped3A = tpu.sem_alloc : memref<!tpu.dma_semaphore, #tpu.memory_space<semaphore_mem>>
      %dma_start3A_21 = tpu.memref_slice %arg3[%add3A_11] : memref<320000xi32, #tpu.memory_space<hbm>> -> memref<16xi32, #tpu.memory_space<hbm>>
      %dma_start3A_22 = tpu.memref_slice %arg3[%add3A_11] : memref<320000xi32, #tpu.memory_space<hbm>> -> memref<16xi32, #tpu.memory_space<hbm>>
      tpu.enqueue_dma source(%dma_start3A_22 : memref<16xi32, #tpu.memory_space<hbm>>) target(%arg10 : memref<16xi32, #tpu.memory_space<vmem>>) target_semaphore(%run_scoped3A : memref<!tpu.dma_semaphore, #tpu.memory_space<semaphore_mem>>)
      %dma_wait3A_23 = tpu.memref_slice %arg3[%add3A_11] : memref<320000xi32, #tpu.memory_space<hbm>> -> memref<16xi32, #tpu.memory_space<hbm>>
      %dma_wait3A_24 = tpu.memref_slice %arg3[%add3A_11] : memref<320000xi32, #tpu.memory_space<hbm>> -> memref<16xi32, #tpu.memory_space<hbm>>
      tpu.wait_dma2 semaphore(%run_scoped3A : memref<!tpu.dma_semaphore, #tpu.memory_space<semaphore_mem>>) src(%dma_wait3A_24 : memref<16xi32, #tpu.memory_space<hbm>>) dst(%arg10 : memref<16xi32, #tpu.memory_space<vmem>>)
      tpu.yield
    }) : () -> ()
    "tpu.region"() ({
      %run_scoped3A = tpu.sem_alloc : memref<!tpu.dma_semaphore, #tpu.memory_space<semaphore_mem>>
      %dma_start3A_21 = tpu.memref_slice %arg4[%add3A_11] : memref<320000xi32, #tpu.memory_space<hbm>> -> memref<16xi32, #tpu.memory_space<hbm>>
      %dma_start3A_22 = tpu.memref_slice %arg4[%add3A_11] : memref<320000xi32, #tpu.memory_space<hbm>> -> memref<16xi32, #tpu.memory_space<hbm>>
      tpu.enqueue_dma source(%dma_start3A_22 : memref<16xi32, #tpu.memory_space<hbm>>) target(%arg11 : memref<16xi32, #tpu.memory_space<vmem>>) target_semaphore(%run_scoped3A : memref<!tpu.dma_semaphore, #tpu.memory_space<semaphore_mem>>)
      %dma_wait3A_23 = tpu.memref_slice %arg4[%add3A_11] : memref<320000xi32, #tpu.memory_space<hbm>> -> memref<16xi32, #tpu.memory_space<hbm>>
      %dma_wait3A_24 = tpu.memref_slice %arg4[%add3A_11] : memref<320000xi32, #tpu.memory_space<hbm>> -> memref<16xi32, #tpu.memory_space<hbm>>
      tpu.wait_dma2 semaphore(%run_scoped3A : memref<!tpu.dma_semaphore, #tpu.memory_space<semaphore_mem>>) src(%dma_wait3A_24 : memref<16xi32, #tpu.memory_space<hbm>>) dst(%arg11 : memref<16xi32, #tpu.memory_space<vmem>>)
      tpu.yield
    }) : () -> ()
    %dma_start3A = arith.constant 0 : i32
    %dma_start3A_12 = arith.constant 0 : i32
    %dma_start3A_13 = tpu.memref_slice %arg2[%dma_start3A, %dma_start3A_12] : memref<10000x128xf32, #tpu.memory_space<hbm>> -> memref<10000x128xf32, #tpu.memory_space<hbm>>
    tpu.enqueue_indirect_dma source(%dma_start3A_13 : memref<10000x128xf32, #tpu.memory_space<hbm>>) target(%arg12 : memref<16x128xf32, #tpu.memory_space<vmem>>) offsets(%arg10 : memref<16xi32, #tpu.memory_space<vmem>>) semaphore(%arg14 : memref<!tpu.dma_semaphore, #tpu.memory_space<semaphore_mem>>)
    %dma_wait3A = arith.constant 0 : i32
    %dma_wait3A_14 = arith.constant 0 : i32
    %dma_wait3A_15 = tpu.memref_slice %arg2[%dma_wait3A, %dma_wait3A_14] : memref<10000x128xf32, #tpu.memory_space<hbm>> -> memref<10000x128xf32, #tpu.memory_space<hbm>>
    tpu.wait_indirect_dma semaphore(%arg14 : memref<!tpu.dma_semaphore, #tpu.memory_space<semaphore_mem>>) src(%dma_wait3A_15 : memref<10000x128xf32, #tpu.memory_space<hbm>>) dst(%arg12 : memref<16x128xf32, #tpu.memory_space<vmem>>)
    "tpu.region"() ({
      %run_scoped3A = tpu.sem_alloc : memref<!tpu.dma_semaphore, #tpu.memory_space<semaphore_mem>>
      %dma_start3A_21 = arith.constant 0 : i32
      %dma_start3A_22 = arith.constant 0 : i32
      %dma_start3A_23 = tpu.memref_slice %arg13[%dma_start3A_21, %dma_start3A_22] : memref<10000x128xf32, #tpu.memory_space<vmem_shared>> -> memref<10000x128xf32, #tpu.memory_space<vmem_shared>>
      tpu.enqueue_indirect_dma source(%arg12 : memref<16x128xf32, #tpu.memory_space<vmem>>) target(%dma_start3A_23 : memref<10000x128xf32, #tpu.memory_space<vmem_shared>>) offsets(%arg11 : memref<16xi32, #tpu.memory_space<vmem>>) semaphore(%run_scoped3A : memref<!tpu.dma_semaphore, #tpu.memory_space<semaphore_mem>>) {add = true}
      %dma_wait3A_24 = arith.constant 0 : i32
      %dma_wait3A_25 = arith.constant 0 : i32
      %dma_wait3A_26 = tpu.memref_slice %arg13[%dma_wait3A_24, %dma_wait3A_25] : memref<10000x128xf32, #tpu.memory_space<vmem_shared>> -> memref<10000x128xf32, #tpu.memory_space<vmem_shared>>
      tpu.wait_indirect_dma semaphore(%run_scoped3A : memref<!tpu.dma_semaphore, #tpu.memory_space<semaphore_mem>>) src(%arg12 : memref<16x128xf32, #tpu.memory_space<vmem>>) dst(%dma_wait3A_26 : memref<10000x128xf32, #tpu.memory_space<vmem_shared>>)
      tpu.yield
    }) : () -> ()
    %barrier3A_16 = arith.constant 0 : index
    tpu.barrier barrier_id(%barrier3A_16)
    %eq3A = arith.constant 0 : i32
    %eq3A_17 = arith.cmpi eq, %arg1, %eq3A : i32
    %convert_element_type3A_18 = arith.extui %eq3A_17 : i1 to i32
    %cond3A_19 = arith.constant 0 : i32
    %cond3A_20 = arith.cmpi ne, %convert_element_type3A_18, %cond3A_19 : i32
    scf.if %cond3A_20 {
      "tpu.region"() ({
        %run_scoped3A = tpu.sem_alloc : memref<!tpu.dma_semaphore, #tpu.memory_space<semaphore_mem>>
        %dma_start3A_21 = arith.constant 0 : i32
        %dma_start3A_22 = arith.constant 0 : i32
        %dma_start3A_23 = tpu.memref_slice %arg6[%arg0, %dma_start3A_21, %dma_start3A_22] : memref<2x10000x128xf32, #tpu.memory_space<hbm>> -> memref<1x10000x128xf32, #tpu.memory_space<hbm>>
        %dma_start3A_24 = tpu.memref_squeeze %dma_start3A_23 : memref<1x10000x128xf32, #tpu.memory_space<hbm>> -> memref<10000x128xf32, #tpu.memory_space<hbm>>
        tpu.enqueue_dma source(%arg13 : memref<10000x128xf32, #tpu.memory_space<vmem_shared>>) target(%dma_start3A_24 : memref<10000x128xf32, #tpu.memory_space<hbm>>) target_semaphore(%run_scoped3A : memref<!tpu.dma_semaphore, #tpu.memory_space<semaphore_mem>>)
        %dma_wait3A_25 = arith.constant 0 : i32
        %dma_wait3A_26 = arith.constant 0 : i32
        %dma_wait3A_27 = tpu.memref_slice %arg6[%arg0, %dma_wait3A_25, %dma_wait3A_26] : memref<2x10000x128xf32, #tpu.memory_space<hbm>> -> memref<1x10000x128xf32, #tpu.memory_space<hbm>>
        %dma_wait3A_28 = tpu.memref_squeeze %dma_wait3A_27 : memref<1x10000x128xf32, #tpu.memory_space<hbm>> -> memref<10000x128xf32, #tpu.memory_space<hbm>>
        tpu.wait_dma2 semaphore(%run_scoped3A : memref<!tpu.dma_semaphore, #tpu.memory_space<semaphore_mem>>) src(%arg13 : memref<10000x128xf32, #tpu.memory_space<vmem_shared>>) dst(%dma_wait3A_28 : memref<10000x128xf32, #tpu.memory_space<hbm>>)
        tpu.yield
      }) : () -> ()
    } else {
    }
    return
  }
}

#map = affine_map<(d0, d1) -> (0, 0)>
#map1 = affine_map<(d0, d1) -> (0)>
#map2 = affine_map<(d0, d1) -> (0, 0, 0)>
module attributes {stable_mosaic.version = 14 : i64} {
  func.func @_sc_aggregate(%arg0: i32, %arg1: i32, %arg2: memref<10000x128xf32, #tpu.memory_space<hbm>>, %arg3: memref<320000xi32, #tpu.memory_space<hbm>>, %arg4: memref<320000xi32, #tpu.memory_space<hbm>>, %arg5: memref<10000x128xf32, #tpu.memory_space<hbm>>, %arg6: memref<2x10000x128xf32, #tpu.memory_space<hbm>>, %arg7: memref<128xi32, #tpu.memory_space<vmem>>, %arg8: memref<128xi32, #tpu.memory_space<vmem>>, %arg9: memref<128x128xf32, #tpu.memory_space<vmem>>, %arg10: memref<16xi32, #tpu.memory_space<vmem>>, %arg11: memref<16xi32, #tpu.memory_space<vmem>>, %arg12: memref<16x128xf32, #tpu.memory_space<vmem>>, %arg13: memref<10000x128xf32, #tpu.memory_space<vmem_shared>>, %arg14: memref<!tpu.dma_semaphore, #tpu.memory_space<semaphore_mem>>) attributes {dimension_semantics = [#tpu.dimension_semantics<core_parallel>, #tpu.dimension_semantics<subcore_parallel>], iteration_bounds = array<i64: 2, 16>, scalar_prefetch = 0 : i64, scratch_operands = 8 : i64, tpu.core_type = #tpu.core_type<sc_vector_subcore>, window_params = [{transform_indices = #map}, {transform_indices = #map1}, {transform_indices = #map1}, {transform_indices = #map}, {transform_indices = #map2}]} {
    %mul3A = arith.constant 2 : i32
    %mul3A_0 = arith.muli %arg1, %mul3A : i32
    %add3A = arith.addi %mul3A_0, %arg0 : i32
    %lt3A = arith.constant 10 : i32
    %lt3A_1 = arith.cmpi slt, %arg1, %lt3A : i32
    %convert_element_type3A = arith.extui %lt3A_1 : i1 to i32
    %cond3A = arith.constant 0 : i32
    %cond3A_2 = arith.cmpi ne, %convert_element_type3A, %cond3A : i32
    scf.if %cond3A_2 {
      %mul3A_21 = arith.constant 1000 : i32
      %mul3A_22 = arith.muli %arg1, %mul3A_21 : i32
      %mul3A_23 = arith.constant 1000 : i32
      %mul3A_24 = arith.muli %arg1, %mul3A_23 : i32
      "tpu.region"() ({
        %run_scoped3A = tpu.sem_alloc : memref<!tpu.dma_semaphore, #tpu.memory_space<semaphore_mem>>
        %dma_start3A_25 = arith.constant 0 : i32
        %dma_start3A_26 = tpu.memref_slice %arg13[%mul3A_24, %dma_start3A_25] : memref<10000x128xf32, #tpu.memory_space<vmem_shared>> -> memref<1000x128xf32, #tpu.memory_space<vmem_shared>>
        %dma_start3A_27 = arith.constant 0 : i32
        %dma_start3A_28 = tpu.memref_slice %arg5[%mul3A_22, %dma_start3A_27] : memref<10000x128xf32, #tpu.memory_space<hbm>> -> memref<1000x128xf32, #tpu.memory_space<hbm>>
        tpu.enqueue_dma source(%dma_start3A_28 : memref<1000x128xf32, #tpu.memory_space<hbm>>) target(%dma_start3A_26 : memref<1000x128xf32, #tpu.memory_space<vmem_shared>>) target_semaphore(%run_scoped3A : memref<!tpu.dma_semaphore, #tpu.memory_space<semaphore_mem>>)
        %dma_wait3A_29 = arith.constant 0 : i32
        %dma_wait3A_30 = tpu.memref_slice %arg13[%mul3A_24, %dma_wait3A_29] : memref<10000x128xf32, #tpu.memory_space<vmem_shared>> -> memref<1000x128xf32, #tpu.memory_space<vmem_shared>>
        %dma_wait3A_31 = arith.constant 0 : i32
        %dma_wait3A_32 = tpu.memref_slice %arg5[%mul3A_22, %dma_wait3A_31] : memref<10000x128xf32, #tpu.memory_space<hbm>> -> memref<1000x128xf32, #tpu.memory_space<hbm>>
        tpu.wait_dma2 semaphore(%run_scoped3A : memref<!tpu.dma_semaphore, #tpu.memory_space<semaphore_mem>>) src(%dma_wait3A_32 : memref<1000x128xf32, #tpu.memory_space<hbm>>) dst(%dma_wait3A_30 : memref<1000x128xf32, #tpu.memory_space<vmem_shared>>)
        tpu.yield
      }) : () -> ()
    } else {
    }
    %barrier3A = arith.constant 0 : index
    tpu.barrier barrier_id(%barrier3A)
    %scan3A = arith.constant 0 : i32
    %scan3A_3 = arith.constant 0 : i32
    %scan3A_4 = arith.constant 78 : i32
    %scan3A_5 = arith.addi %scan3A_3, %scan3A_4 : i32
    %scan3A_6 = arith.constant 1 : i32
    scf.for %scan3A_21 = %scan3A_3 to %scan3A_5 step %scan3A_6  : i32 {
      %mul3A_22 = arith.constant 10000 : i32
      %mul3A_23 = arith.muli %add3A, %mul3A_22 : i32
      %mul3A_24 = arith.constant 128 : i32
      %mul3A_25 = arith.muli %scan3A_21, %mul3A_24 : i32
      %add3A_26 = arith.addi %mul3A_23, %mul3A_25 : i32
      "tpu.region"() ({
        %run_scoped3A = tpu.sem_alloc : memref<!tpu.dma_semaphore, #tpu.memory_space<semaphore_mem>>
        %dma_start3A_33 = tpu.memref_slice %arg3[%add3A_26] : memref<320000xi32, #tpu.memory_space<hbm>> -> memref<128xi32, #tpu.memory_space<hbm>>
        %dma_start3A_34 = tpu.memref_slice %arg3[%add3A_26] : memref<320000xi32, #tpu.memory_space<hbm>> -> memref<128xi32, #tpu.memory_space<hbm>>
        tpu.enqueue_dma source(%dma_start3A_34 : memref<128xi32, #tpu.memory_space<hbm>>) target(%arg7 : memref<128xi32, #tpu.memory_space<vmem>>) target_semaphore(%run_scoped3A : memref<!tpu.dma_semaphore, #tpu.memory_space<semaphore_mem>>)
        %dma_wait3A_35 = tpu.memref_slice %arg3[%add3A_26] : memref<320000xi32, #tpu.memory_space<hbm>> -> memref<128xi32, #tpu.memory_space<hbm>>
        %dma_wait3A_36 = tpu.memref_slice %arg3[%add3A_26] : memref<320000xi32, #tpu.memory_space<hbm>> -> memref<128xi32, #tpu.memory_space<hbm>>
        tpu.wait_dma2 semaphore(%run_scoped3A : memref<!tpu.dma_semaphore, #tpu.memory_space<semaphore_mem>>) src(%dma_wait3A_36 : memref<128xi32, #tpu.memory_space<hbm>>) dst(%arg7 : memref<128xi32, #tpu.memory_space<vmem>>)
        tpu.yield
      }) : () -> ()
      "tpu.region"() ({
        %run_scoped3A = tpu.sem_alloc : memref<!tpu.dma_semaphore, #tpu.memory_space<semaphore_mem>>
        %dma_start3A_33 = tpu.memref_slice %arg4[%add3A_26] : memref<320000xi32, #tpu.memory_space<hbm>> -> memref<128xi32, #tpu.memory_space<hbm>>
        %dma_start3A_34 = tpu.memref_slice %arg4[%add3A_26] : memref<320000xi32, #tpu.memory_space<hbm>> -> memref<128xi32, #tpu.memory_space<hbm>>
        tpu.enqueue_dma source(%dma_start3A_34 : memref<128xi32, #tpu.memory_space<hbm>>) target(%arg8 : memref<128xi32, #tpu.memory_space<vmem>>) target_semaphore(%run_scoped3A : memref<!tpu.dma_semaphore, #tpu.memory_space<semaphore_mem>>)
        %dma_wait3A_35 = tpu.memref_slice %arg4[%add3A_26] : memref<320000xi32, #tpu.memory_space<hbm>> -> memref<128xi32, #tpu.memory_space<hbm>>
        %dma_wait3A_36 = tpu.memref_slice %arg4[%add3A_26] : memref<320000xi32, #tpu.memory_space<hbm>> -> memref<128xi32, #tpu.memory_space<hbm>>
        tpu.wait_dma2 semaphore(%run_scoped3A : memref<!tpu.dma_semaphore, #tpu.memory_space<semaphore_mem>>) src(%dma_wait3A_36 : memref<128xi32, #tpu.memory_space<hbm>>) dst(%arg8 : memref<128xi32, #tpu.memory_space<vmem>>)
        tpu.yield
      }) : () -> ()
      %dma_start3A_27 = arith.constant 0 : i32
      %dma_start3A_28 = arith.constant 0 : i32
      %dma_start3A_29 = tpu.memref_slice %arg2[%dma_start3A_27, %dma_start3A_28] : memref<10000x128xf32, #tpu.memory_space<hbm>> -> memref<10000x128xf32, #tpu.memory_space<hbm>>
      tpu.enqueue_indirect_dma source(%dma_start3A_29 : memref<10000x128xf32, #tpu.memory_space<hbm>>) target(%arg9 : memref<128x128xf32, #tpu.memory_space<vmem>>) offsets(%arg7 : memref<128xi32, #tpu.memory_space<vmem>>) semaphore(%arg14 : memref<!tpu.dma_semaphore, #tpu.memory_space<semaphore_mem>>)
      %dma_wait3A_30 = arith.constant 0 : i32
      %dma_wait3A_31 = arith.constant 0 : i32
      %dma_wait3A_32 = tpu.memref_slice %arg2[%dma_wait3A_30, %dma_wait3A_31] : memref<10000x128xf32, #tpu.memory_space<hbm>> -> memref<10000x128xf32, #tpu.memory_space<hbm>>
      tpu.wait_indirect_dma semaphore(%arg14 : memref<!tpu.dma_semaphore, #tpu.memory_space<semaphore_mem>>) src(%dma_wait3A_32 : memref<10000x128xf32, #tpu.memory_space<hbm>>) dst(%arg9 : memref<128x128xf32, #tpu.memory_space<vmem>>)
      "tpu.region"() ({
        %run_scoped3A = tpu.sem_alloc : memref<!tpu.dma_semaphore, #tpu.memory_space<semaphore_mem>>
        %dma_start3A_33 = arith.constant 0 : i32
        %dma_start3A_34 = arith.constant 0 : i32
        %dma_start3A_35 = tpu.memref_slice %arg13[%dma_start3A_33, %dma_start3A_34] : memref<10000x128xf32, #tpu.memory_space<vmem_shared>> -> memref<10000x128xf32, #tpu.memory_space<vmem_shared>>
        tpu.enqueue_indirect_dma source(%arg9 : memref<128x128xf32, #tpu.memory_space<vmem>>) target(%dma_start3A_35 : memref<10000x128xf32, #tpu.memory_space<vmem_shared>>) offsets(%arg8 : memref<128xi32, #tpu.memory_space<vmem>>) semaphore(%run_scoped3A : memref<!tpu.dma_semaphore, #tpu.memory_space<semaphore_mem>>) {add = true}
        %dma_wait3A_36 = arith.constant 0 : i32
        %dma_wait3A_37 = arith.constant 0 : i32
        %dma_wait3A_38 = tpu.memref_slice %arg13[%dma_wait3A_36, %dma_wait3A_37] : memref<10000x128xf32, #tpu.memory_space<vmem_shared>> -> memref<10000x128xf32, #tpu.memory_space<vmem_shared>>
        tpu.wait_indirect_dma semaphore(%run_scoped3A : memref<!tpu.dma_semaphore, #tpu.memory_space<semaphore_mem>>) src(%arg9 : memref<128x128xf32, #tpu.memory_space<vmem>>) dst(%dma_wait3A_38 : memref<10000x128xf32, #tpu.memory_space<vmem_shared>>)
        tpu.yield
      }) : () -> ()
    }
    %scan3A_7 = arith.constant 78 : i32
    %mul3A_8 = arith.constant 10000 : i32
    %mul3A_9 = arith.muli %add3A, %mul3A_8 : i32
    %add3A_10 = arith.constant 9984 : i32
    %add3A_11 = arith.addi %mul3A_9, %add3A_10 : i32
    "tpu.region"() ({
      %run_scoped3A = tpu.sem_alloc : memref<!tpu.dma_semaphore, #tpu.memory_space<semaphore_mem>>
      %dma_start3A_21 = tpu.memref_slice %arg3[%add3A_11] : memref<320000xi32, #tpu.memory_space<hbm>> -> memref<16xi32, #tpu.memory_space<hbm>>
      %dma_start3A_22 = tpu.memref_slice %arg3[%add3A_11] : memref<320000xi32, #tpu.memory_space<hbm>> -> memref<16xi32, #tpu.memory_space<hbm>>
      tpu.enqueue_dma source(%dma_start3A_22 : memref<16xi32, #tpu.memory_space<hbm>>) target(%arg10 : memref<16xi32, #tpu.memory_space<vmem>>) target_semaphore(%run_scoped3A : memref<!tpu.dma_semaphore, #tpu.memory_space<semaphore_mem>>)
      %dma_wait3A_23 = tpu.memref_slice %arg3[%add3A_11] : memref<320000xi32, #tpu.memory_space<hbm>> -> memref<16xi32, #tpu.memory_space<hbm>>
      %dma_wait3A_24 = tpu.memref_slice %arg3[%add3A_11] : memref<320000xi32, #tpu.memory_space<hbm>> -> memref<16xi32, #tpu.memory_space<hbm>>
      tpu.wait_dma2 semaphore(%run_scoped3A : memref<!tpu.dma_semaphore, #tpu.memory_space<semaphore_mem>>) src(%dma_wait3A_24 : memref<16xi32, #tpu.memory_space<hbm>>) dst(%arg10 : memref<16xi32, #tpu.memory_space<vmem>>)
      tpu.yield
    }) : () -> ()
    "tpu.region"() ({
      %run_scoped3A = tpu.sem_alloc : memref<!tpu.dma_semaphore, #tpu.memory_space<semaphore_mem>>
      %dma_start3A_21 = tpu.memref_slice %arg4[%add3A_11] : memref<320000xi32, #tpu.memory_space<hbm>> -> memref<16xi32, #tpu.memory_space<hbm>>
      %dma_start3A_22 = tpu.memref_slice %arg4[%add3A_11] : memref<320000xi32, #tpu.memory_space<hbm>> -> memref<16xi32, #tpu.memory_space<hbm>>
      tpu.enqueue_dma source(%dma_start3A_22 : memref<16xi32, #tpu.memory_space<hbm>>) target(%arg11 : memref<16xi32, #tpu.memory_space<vmem>>) target_semaphore(%run_scoped3A : memref<!tpu.dma_semaphore, #tpu.memory_space<semaphore_mem>>)
      %dma_wait3A_23 = tpu.memref_slice %arg4[%add3A_11] : memref<320000xi32, #tpu.memory_space<hbm>> -> memref<16xi32, #tpu.memory_space<hbm>>
      %dma_wait3A_24 = tpu.memref_slice %arg4[%add3A_11] : memref<320000xi32, #tpu.memory_space<hbm>> -> memref<16xi32, #tpu.memory_space<hbm>>
      tpu.wait_dma2 semaphore(%run_scoped3A : memref<!tpu.dma_semaphore, #tpu.memory_space<semaphore_mem>>) src(%dma_wait3A_24 : memref<16xi32, #tpu.memory_space<hbm>>) dst(%arg11 : memref<16xi32, #tpu.memory_space<vmem>>)
      tpu.yield
    }) : () -> ()
    %dma_start3A = arith.constant 0 : i32
    %dma_start3A_12 = arith.constant 0 : i32
    %dma_start3A_13 = tpu.memref_slice %arg2[%dma_start3A, %dma_start3A_12] : memref<10000x128xf32, #tpu.memory_space<hbm>> -> memref<10000x128xf32, #tpu.memory_space<hbm>>
    tpu.enqueue_indirect_dma source(%dma_start3A_13 : memref<10000x128xf32, #tpu.memory_space<hbm>>) target(%arg12 : memref<16x128xf32, #tpu.memory_space<vmem>>) offsets(%arg10 : memref<16xi32, #tpu.memory_space<vmem>>) semaphore(%arg14 : memref<!tpu.dma_semaphore, #tpu.memory_space<semaphore_mem>>)
    %dma_wait3A = arith.constant 0 : i32
    %dma_wait3A_14 = arith.constant 0 : i32
    %dma_wait3A_15 = tpu.memref_slice %arg2[%dma_wait3A, %dma_wait3A_14] : memref<10000x128xf32, #tpu.memory_space<hbm>> -> memref<10000x128xf32, #tpu.memory_space<hbm>>
    tpu.wait_indirect_dma semaphore(%arg14 : memref<!tpu.dma_semaphore, #tpu.memory_space<semaphore_mem>>) src(%dma_wait3A_15 : memref<10000x128xf32, #tpu.memory_space<hbm>>) dst(%arg12 : memref<16x128xf32, #tpu.memory_space<vmem>>)
    "tpu.region"() ({
      %run_scoped3A = tpu.sem_alloc : memref<!tpu.dma_semaphore, #tpu.memory_space<semaphore_mem>>
      %dma_start3A_21 = arith.constant 0 : i32
      %dma_start3A_22 = arith.constant 0 : i32
      %dma_start3A_23 = tpu.memref_slice %arg13[%dma_start3A_21, %dma_start3A_22] : memref<10000x128xf32, #tpu.memory_space<vmem_shared>> -> memref<10000x128xf32, #tpu.memory_space<vmem_shared>>
      tpu.enqueue_indirect_dma source(%arg12 : memref<16x128xf32, #tpu.memory_space<vmem>>) target(%dma_start3A_23 : memref<10000x128xf32, #tpu.memory_space<vmem_shared>>) offsets(%arg11 : memref<16xi32, #tpu.memory_space<vmem>>) semaphore(%run_scoped3A : memref<!tpu.dma_semaphore, #tpu.memory_space<semaphore_mem>>) {add = true}
      %dma_wait3A_24 = arith.constant 0 : i32
      %dma_wait3A_25 = arith.constant 0 : i32
      %dma_wait3A_26 = tpu.memref_slice %arg13[%dma_wait3A_24, %dma_wait3A_25] : memref<10000x128xf32, #tpu.memory_space<vmem_shared>> -> memref<10000x128xf32, #tpu.memory_space<vmem_shared>>
      tpu.wait_indirect_dma semaphore(%run_scoped3A : memref<!tpu.dma_semaphore, #tpu.memory_space<semaphore_mem>>) src(%arg12 : memref<16x128xf32, #tpu.memory_space<vmem>>) dst(%dma_wait3A_26 : memref<10000x128xf32, #tpu.memory_space<vmem_shared>>)
      tpu.yield
    }) : () -> ()
    %barrier3A_16 = arith.constant 0 : index
    tpu.barrier barrier_id(%barrier3A_16)
    %eq3A = arith.constant 0 : i32
    %eq3A_17 = arith.cmpi eq, %arg1, %eq3A : i32
    %convert_element_type3A_18 = arith.extui %eq3A_17 : i1 to i32
    %cond3A_19 = arith.constant 0 : i32
    %cond3A_20 = arith.cmpi ne, %convert_element_type3A_18, %cond3A_19 : i32
    scf.if %cond3A_20 {
      "tpu.region"() ({
        %run_scoped3A = tpu.sem_alloc : memref<!tpu.dma_semaphore, #tpu.memory_space<semaphore_mem>>
        %dma_start3A_21 = arith.constant 0 : i32
        %dma_start3A_22 = arith.constant 0 : i32
        %dma_start3A_23 = tpu.memref_slice %arg6[%arg0, %dma_start3A_21, %dma_start3A_22] : memref<2x10000x128xf32, #tpu.memory_space<hbm>> -> memref<1x10000x128xf32, #tpu.memory_space<hbm>>
        %dma_start3A_24 = tpu.memref_squeeze %dma_start3A_23 : memref<1x10000x128xf32, #tpu.memory_space<hbm>> -> memref<10000x128xf32, #tpu.memory_space<hbm>>
        tpu.enqueue_dma source(%arg13 : memref<10000x128xf32, #tpu.memory_space<vmem_shared>>) target(%dma_start3A_24 : memref<10000x128xf32, #tpu.memory_space<hbm>>) target_semaphore(%run_scoped3A : memref<!tpu.dma_semaphore, #tpu.memory_space<semaphore_mem>>)
        %dma_wait3A_25 = arith.constant 0 : i32
        %dma_wait3A_26 = arith.constant 0 : i32
        %dma_wait3A_27 = tpu.memref_slice %arg6[%arg0, %dma_wait3A_25, %dma_wait3A_26] : memref<2x10000x128xf32, #tpu.memory_space<hbm>> -> memref<1x10000x128xf32, #tpu.memory_space<hbm>>
        %dma_wait3A_28 = tpu.memref_squeeze %dma_wait3A_27 : memref<1x10000x128xf32, #tpu.memory_space<hbm>> -> memref<10000x128xf32, #tpu.memory_space<hbm>>
        tpu.wait_dma2 semaphore(%run_scoped3A : memref<!tpu.dma_semaphore, #tpu.memory_space<semaphore_mem>>) src(%arg13 : memref<10000x128xf32, #tpu.memory_space<vmem_shared>>) dst(%dma_wait3A_28 : memref<10000x128xf32, #tpu.memory_space<hbm>>)
        tpu.yield
      }) : () -> ()
    } else {
    }
    return
  }
}

module attributes {stable_mosaic.version = 14 : i64} {
  func.func @_mlp_body(%arg0: i32, %arg1: memref<1x1xf32, #tpu.memory_space<smem>>, %arg2: memref<1000x128xf32, #tpu.memory_space<vmem>>, %arg3: memref<2x1000x128xf32, #tpu.memory_space<vmem>>, %arg4: memref<128x128xf32, #tpu.memory_space<vmem>>, %arg5: memref<128xf32, #tpu.memory_space<vmem>>, %arg6: memref<128x128xf32, #tpu.memory_space<vmem>>, %arg7: memref<128xf32, #tpu.memory_space<vmem>>, %arg8: memref<1000x128xf32, #tpu.memory_space<vmem>>) attributes {dimension_semantics = [#tpu.dimension_semantics<arbitrary>], iteration_bounds = array<i64: 10>, scalar_prefetch = 0 : i64, scratch_operands = 0 : i64, tpu.core_type = #tpu.core_type<tc>, window_params = [{transform_indices = @transform_0, window_bounds = array<i64: 1, 1>}, {transform_indices = @transform_1, window_bounds = array<i64: 1000, 128>}, {transform_indices = @transform_2, window_bounds = array<i64: 2, 1000, 128>}, {pipeline_mode = #tpu.pipeline_mode<synchronous>, transform_indices = @transform_3, window_bounds = array<i64: 128, 128>}, {pipeline_mode = #tpu.pipeline_mode<synchronous>, transform_indices = @transform_4, window_bounds = array<i64: 128>}, {pipeline_mode = #tpu.pipeline_mode<synchronous>, transform_indices = @transform_5, window_bounds = array<i64: 128, 128>}, {pipeline_mode = #tpu.pipeline_mode<synchronous>, transform_indices = @transform_6, window_bounds = array<i64: 128>}, {transform_indices = @transform_7, window_bounds = array<i64: 1000, 128>}]} {
    %get3A = arith.constant 0 : index
    %get3A_0 = arith.constant 0 : index
    %get3A_1 = memref.load %arg1[%get3A, %get3A_0] : memref<1x1xf32, #tpu.memory_space<smem>>
    %add3A = arith.constant 1.000000e+00 : f32
    %add3A_2 = arith.addf %add3A, %get3A_1 : f32
    %get3A_3 = arith.constant 0 : index
    %get3A_4 = arith.constant 0 : index
    %get3A_5 = vector.load %arg2[%get3A_3, %get3A_4] : memref<1000x128xf32, #tpu.memory_space<vmem>>, vector<1000x128xf32>
    %mul3A = vector.broadcast %add3A_2 : f32 to vector<1000x128xf32>
    %mul3A_6 = arith.mulf %mul3A, %get3A_5 : vector<1000x128xf32>
    %get3A_7 = arith.constant 0 : index
    %get3A_8 = arith.constant 0 : index
    %get3A_9 = arith.constant 0 : index
    %get3A_10 = vector.load %arg3[%get3A_7, %get3A_8, %get3A_9] : memref<2x1000x128xf32, #tpu.memory_space<vmem>>, vector<1x1000x128xf32>
    %get3A_11 = vector.shape_cast %get3A_10 : vector<1x1000x128xf32> to vector<1000x128xf32>
    %add3A_12 = arith.addf %mul3A_6, %get3A_11 : vector<1000x128xf32>
    %get3A_13 = arith.constant 1 : index
    %get3A_14 = arith.constant 0 : index
    %get3A_15 = arith.constant 0 : index
    %get3A_16 = vector.load %arg3[%get3A_13, %get3A_14, %get3A_15] : memref<2x1000x128xf32, #tpu.memory_space<vmem>>, vector<1x1000x128xf32>
    %get3A_17 = vector.shape_cast %get3A_16 : vector<1x1000x128xf32> to vector<1000x128xf32>
    %add3A_18 = arith.addf %add3A_12, %get3A_17 : vector<1000x128xf32>
    %get3A_19 = arith.constant 0 : index
    %get3A_20 = arith.constant 0 : index
    %get3A_21 = vector.load %arg4[%get3A_19, %get3A_20] : memref<128x128xf32, #tpu.memory_space<vmem>>, vector<128x128xf32>
    %dot_general3A = arith.constant dense<0.000000e+00> : vector<1000x128xf32>
    %dot_general3A_22 = tpu.matmul %add3A_18, %get3A_21, %dot_general3A {dimension_numbers = #tpu.dot_dimension_numbers<[1], [0], [0], [1], [0, 0, 1, 1], [], []>, transpose_lhs_hint = false} : vector<1000x128xf32>, vector<128x128xf32>, vector<1000x128xf32> -> vector<1000x128xf32>
    %get3A_23 = arith.constant 0 : index
    %get3A_24 = vector.load %arg5[%get3A_23] : memref<128xf32, #tpu.memory_space<vmem>>, vector<128xf32>
    %broadcast_in_dim3A = vector.shape_cast %get3A_24 : vector<128xf32> to vector<1x128xf32>
    %add3A_25 = vector.broadcast %broadcast_in_dim3A : vector<1x128xf32> to vector<1000x128xf32>
    %add3A_26 = arith.addf %dot_general3A_22, %add3A_25 : vector<1000x128xf32>
    %max3A = arith.constant 0.000000e+00 : f32
    %max3A_27 = vector.broadcast %max3A : f32 to vector<1000x128xf32>
    %max3A_28 = arith.maximumf %add3A_26, %max3A_27 : vector<1000x128xf32>
    %get3A_29 = arith.constant 0 : index
    %get3A_30 = arith.constant 0 : index
    %get3A_31 = vector.load %arg6[%get3A_29, %get3A_30] : memref<128x128xf32, #tpu.memory_space<vmem>>, vector<128x128xf32>
    %dot_general3A_32 = arith.constant dense<0.000000e+00> : vector<1000x128xf32>
    %dot_general3A_33 = tpu.matmul %max3A_28, %get3A_31, %dot_general3A_32 {dimension_numbers = #tpu.dot_dimension_numbers<[1], [0], [0], [1], [0, 0, 1, 1], [], []>, transpose_lhs_hint = false} : vector<1000x128xf32>, vector<128x128xf32>, vector<1000x128xf32> -> vector<1000x128xf32>
    %get3A_34 = arith.constant 0 : index
    %get3A_35 = vector.load %arg7[%get3A_34] : memref<128xf32, #tpu.memory_space<vmem>>, vector<128xf32>
    %broadcast_in_dim3A_36 = vector.shape_cast %get3A_35 : vector<128xf32> to vector<1x128xf32>
    %add3A_37 = vector.broadcast %broadcast_in_dim3A_36 : vector<1x128xf32> to vector<1000x128xf32>
    %add3A_38 = arith.addf %dot_general3A_33, %add3A_37 : vector<1000x128xf32>
    %max3A_39 = arith.constant 0.000000e+00 : f32
    %max3A_40 = vector.broadcast %max3A_39 : f32 to vector<1000x128xf32>
    %max3A_41 = arith.maximumf %add3A_38, %max3A_40 : vector<1000x128xf32>
    %swap3A = arith.constant 0 : index
    %swap3A_42 = arith.constant 0 : index
    %swap3A_43 = vector.load %arg8[%swap3A, %swap3A_42] : memref<1000x128xf32, #tpu.memory_space<vmem>>, vector<1000x128xf32>
    tpu.vector_store %arg8[%swap3A, %swap3A_42], %max3A_41 {strides = array<i32>} : memref<1000x128xf32, #tpu.memory_space<vmem>>, vector<1000x128xf32>,
    return
  }
  func.func @transform_0(%arg0: i32) -> (i32, i32) {
    %c0_i32 = arith.constant 0 : i32
    %c0_i32_0 = arith.constant 0 : i32
    %c0_i32_1 = arith.constant 0 : i32
    return %c0_i32, %c0_i32_0 : i32, i32
  }
  func.func @transform_1(%arg0: i32) -> (i32, i32) {
    %c0_i32 = arith.constant 0 : i32
    %c0_i32_0 = arith.constant 0 : i32
    return %arg0, %c0_i32 : i32, i32
  }
  func.func @transform_2(%arg0: i32) -> (i32, i32, i32) {
    %c0_i32 = arith.constant 0 : i32
    %c0_i32_0 = arith.constant 0 : i32
    %c0_i32_1 = arith.constant 0 : i32
    return %c0_i32, %arg0, %c0_i32_0 : i32, i32, i32
  }
  func.func @transform_3(%arg0: i32) -> (i32, i32) {
    %c0_i32 = arith.constant 0 : i32
    %c0_i32_0 = arith.constant 0 : i32
    %c0_i32_1 = arith.constant 0 : i32
    return %c0_i32, %c0_i32_0 : i32, i32
  }
  func.func @transform_4(%arg0: i32) -> i32 {
    %c0_i32 = arith.constant 0 : i32
    %c0_i32_0 = arith.constant 0 : i32
    return %c0_i32 : i32
  }
  func.func @transform_5(%arg0: i32) -> (i32, i32) {
    %c0_i32 = arith.constant 0 : i32
    %c0_i32_0 = arith.constant 0 : i32
    %c0_i32_1 = arith.constant 0 : i32
    return %c0_i32, %c0_i32_0 : i32, i32
  }
  func.func @transform_6(%arg0: i32) -> i32 {
    %c0_i32 = arith.constant 0 : i32
    %c0_i32_0 = arith.constant 0 : i32
    return %c0_i32 : i32
  }
  func.func @transform_7(%arg0: i32) -> (i32, i32) {
    %c0_i32 = arith.constant 0 : i32
    %c0_i32_0 = arith.constant 0 : i32
    return %arg0, %c0_i32 : i32, i32
  }
}

module attributes {stable_mosaic.version = 14 : i64} {
  func.func @_mlp_final_body(%arg0: i32, %arg1: memref<1x1xf32, #tpu.memory_space<smem>>, %arg2: memref<1000x128xf32, #tpu.memory_space<vmem>>, %arg3: memref<2x1000x128xf32, #tpu.memory_space<vmem>>, %arg4: memref<128x128xf32, #tpu.memory_space<vmem>>, %arg5: memref<128xf32, #tpu.memory_space<vmem>>, %arg6: memref<128x128xf32, #tpu.memory_space<vmem>>, %arg7: memref<128xf32, #tpu.memory_space<vmem>>, %arg8: memref<1x1x1000xi32, #tpu.memory_space<vmem>>, %arg9: memref<1000x128xf32, #tpu.memory_space<vmem>>, %arg10: memref<64x128xf32, #tpu.memory_space<vmem>>) attributes {dimension_semantics = [#tpu.dimension_semantics<arbitrary>], iteration_bounds = array<i64: 10>, scalar_prefetch = 0 : i64, scratch_operands = 0 : i64, tpu.core_type = #tpu.core_type<tc>, window_params = [{transform_indices = @transform_0, window_bounds = array<i64: 1, 1>}, {transform_indices = @transform_1, window_bounds = array<i64: 1000, 128>}, {transform_indices = @transform_2, window_bounds = array<i64: 2, 1000, 128>}, {pipeline_mode = #tpu.pipeline_mode<synchronous>, transform_indices = @transform_3, window_bounds = array<i64: 128, 128>}, {pipeline_mode = #tpu.pipeline_mode<synchronous>, transform_indices = @transform_4, window_bounds = array<i64: 128>}, {pipeline_mode = #tpu.pipeline_mode<synchronous>, transform_indices = @transform_5, window_bounds = array<i64: 128, 128>}, {pipeline_mode = #tpu.pipeline_mode<synchronous>, transform_indices = @transform_6, window_bounds = array<i64: 128>}, {transform_indices = @transform_7, window_bounds = array<i64: 1, 1, 1000>}, {transform_indices = @transform_8, window_bounds = array<i64: 1000, 128>}, {pipeline_mode = #tpu.pipeline_mode<synchronous>, transform_indices = @transform_9, window_bounds = array<i64: 64, 128>}]} {
    %get3A = arith.constant 0 : index
    %get3A_0 = arith.constant 0 : index
    %get3A_1 = memref.load %arg1[%get3A, %get3A_0] : memref<1x1xf32, #tpu.memory_space<smem>>
    %add3A = arith.constant 1.000000e+00 : f32
    %add3A_2 = arith.addf %add3A, %get3A_1 : f32
    %get3A_3 = arith.constant 0 : index
    %get3A_4 = arith.constant 0 : index
    %get3A_5 = vector.load %arg2[%get3A_3, %get3A_4] : memref<1000x128xf32, #tpu.memory_space<vmem>>, vector<1000x128xf32>
    %mul3A = vector.broadcast %add3A_2 : f32 to vector<1000x128xf32>
    %mul3A_6 = arith.mulf %mul3A, %get3A_5 : vector<1000x128xf32>
    %get3A_7 = arith.constant 0 : index
    %get3A_8 = arith.constant 0 : index
    %get3A_9 = arith.constant 0 : index
    %get3A_10 = vector.load %arg3[%get3A_7, %get3A_8, %get3A_9] : memref<2x1000x128xf32, #tpu.memory_space<vmem>>, vector<1x1000x128xf32>
    %get3A_11 = vector.shape_cast %get3A_10 : vector<1x1000x128xf32> to vector<1000x128xf32>
    %add3A_12 = arith.addf %mul3A_6, %get3A_11 : vector<1000x128xf32>
    %get3A_13 = arith.constant 1 : index
    %get3A_14 = arith.constant 0 : index
    %get3A_15 = arith.constant 0 : index
    %get3A_16 = vector.load %arg3[%get3A_13, %get3A_14, %get3A_15] : memref<2x1000x128xf32, #tpu.memory_space<vmem>>, vector<1x1000x128xf32>
    %get3A_17 = vector.shape_cast %get3A_16 : vector<1x1000x128xf32> to vector<1000x128xf32>
    %add3A_18 = arith.addf %add3A_12, %get3A_17 : vector<1000x128xf32>
    %get3A_19 = arith.constant 0 : index
    %get3A_20 = arith.constant 0 : index
    %get3A_21 = vector.load %arg4[%get3A_19, %get3A_20] : memref<128x128xf32, #tpu.memory_space<vmem>>, vector<128x128xf32>
    %dot_general3A = arith.constant dense<0.000000e+00> : vector<1000x128xf32>
    %dot_general3A_22 = tpu.matmul %add3A_18, %get3A_21, %dot_general3A {dimension_numbers = #tpu.dot_dimension_numbers<[1], [0], [0], [1], [0, 0, 1, 1], [], []>, transpose_lhs_hint = false} : vector<1000x128xf32>, vector<128x128xf32>, vector<1000x128xf32> -> vector<1000x128xf32>
    %get3A_23 = arith.constant 0 : index
    %get3A_24 = vector.load %arg5[%get3A_23] : memref<128xf32, #tpu.memory_space<vmem>>, vector<128xf32>
    %broadcast_in_dim3A = vector.shape_cast %get3A_24 : vector<128xf32> to vector<1x128xf32>
    %add3A_25 = vector.broadcast %broadcast_in_dim3A : vector<1x128xf32> to vector<1000x128xf32>
    %add3A_26 = arith.addf %dot_general3A_22, %add3A_25 : vector<1000x128xf32>
    %max3A = arith.constant 0.000000e+00 : f32
    %max3A_27 = vector.broadcast %max3A : f32 to vector<1000x128xf32>
    %max3A_28 = arith.maximumf %add3A_26, %max3A_27 : vector<1000x128xf32>
    %get3A_29 = arith.constant 0 : index
    %get3A_30 = arith.constant 0 : index
    %get3A_31 = vector.load %arg6[%get3A_29, %get3A_30] : memref<128x128xf32, #tpu.memory_space<vmem>>, vector<128x128xf32>
    %dot_general3A_32 = arith.constant dense<0.000000e+00> : vector<1000x128xf32>
    %dot_general3A_33 = tpu.matmul %max3A_28, %get3A_31, %dot_general3A_32 {dimension_numbers = #tpu.dot_dimension_numbers<[1], [0], [0], [1], [0, 0, 1, 1], [], []>, transpose_lhs_hint = false} : vector<1000x128xf32>, vector<128x128xf32>, vector<1000x128xf32> -> vector<1000x128xf32>
    %get3A_34 = arith.constant 0 : index
    %get3A_35 = vector.load %arg7[%get3A_34] : memref<128xf32, #tpu.memory_space<vmem>>, vector<128xf32>
    %broadcast_in_dim3A_36 = vector.shape_cast %get3A_35 : vector<128xf32> to vector<1x128xf32>
    %add3A_37 = vector.broadcast %broadcast_in_dim3A_36 : vector<1x128xf32> to vector<1000x128xf32>
    %add3A_38 = arith.addf %dot_general3A_33, %add3A_37 : vector<1000x128xf32>
    %max3A_39 = arith.constant 0.000000e+00 : f32
    %max3A_40 = vector.broadcast %max3A_39 : f32 to vector<1000x128xf32>
    %max3A_41 = arith.maximumf %add3A_38, %max3A_40 : vector<1000x128xf32>
    %swap3A = arith.constant 0 : index
    %swap3A_42 = arith.constant 0 : index
    %swap3A_43 = vector.load %arg9[%swap3A, %swap3A_42] : memref<1000x128xf32, #tpu.memory_space<vmem>>, vector<1000x128xf32>
    tpu.vector_store %arg9[%swap3A, %swap3A_42], %max3A_41 {strides = array<i32>} : memref<1000x128xf32, #tpu.memory_space<vmem>>, vector<1000x128xf32>,
    %iota3A = tpu.iota {dimensions = array<i32: 0>} : vector<64x1000xi32>
    %get3A_44 = arith.constant 0 : index
    %get3A_45 = arith.constant 0 : index
    %get3A_46 = arith.constant 0 : index
    %get3A_47 = vector.load %arg8[%get3A_44, %get3A_45, %get3A_46] : memref<1x1x1000xi32, #tpu.memory_space<vmem>>, vector<1x1x1000xi32>
    %get3A_48 = vector.shape_cast %get3A_47 : vector<1x1x1000xi32> to vector<1x1000xi32>
    %eq3A = vector.broadcast %get3A_48 : vector<1x1000xi32> to vector<64x1000xi32>
    %eq3A_49 = arith.cmpi eq, %eq3A, %iota3A : vector<64x1000xi32>
    %convert_element_type3A = arith.extui %eq3A_49 : vector<64x1000xi1> to vector<64x1000xi32>
    %convert_element_type3A_50 = arith.sitofp %convert_element_type3A : vector<64x1000xi32> to vector<64x1000xf32>
    %get3A_51 = arith.constant 0 : index
    %get3A_52 = arith.constant 0 : index
    %get3A_53 = vector.load %arg9[%get3A_51, %get3A_52] : memref<1000x128xf32, #tpu.memory_space<vmem>>, vector<1000x128xf32>
    %dot_general3A_54 = arith.constant dense<0.000000e+00> : vector<64x128xf32>
    %dot_general3A_55 = tpu.matmul %convert_element_type3A_50, %get3A_53, %dot_general3A_54 {dimension_numbers = #tpu.dot_dimension_numbers<[1], [0], [0], [1], [0, 0, 1, 1], [], []>, transpose_lhs_hint = false} : vector<64x1000xf32>, vector<1000x128xf32>, vector<64x128xf32> -> vector<64x128xf32>
    %eq3A_56 = arith.constant 0 : i32
    %eq3A_57 = arith.cmpi eq, %arg0, %eq3A_56 : i32
    %convert_element_type3A_58 = arith.extui %eq3A_57 : i1 to i32
    %cond3A = arith.constant 0 : i32
    %cond3A_59 = arith.cmpi ne, %convert_element_type3A_58, %cond3A : i32
    scf.if %cond3A_59 {
      %swap3A_64 = arith.constant 0 : index
      %swap3A_65 = arith.constant 0 : index
      %swap3A_66 = vector.load %arg10[%swap3A_64, %swap3A_65] : memref<64x128xf32, #tpu.memory_space<vmem>>, vector<64x128xf32>
      tpu.vector_store %arg10[%swap3A_64, %swap3A_65], %dot_general3A_55 {strides = array<i32>} : memref<64x128xf32, #tpu.memory_space<vmem>>, vector<64x128xf32>,
    } else {
    }
    %gt3A = arith.constant 0 : i32
    %gt3A_60 = arith.cmpi sgt, %arg0, %gt3A : i32
    %convert_element_type3A_61 = arith.extui %gt3A_60 : i1 to i32
    %cond3A_62 = arith.constant 0 : i32
    %cond3A_63 = arith.cmpi ne, %convert_element_type3A_61, %cond3A_62 : i32
    scf.if %cond3A_63 {
      %get3A_64 = arith.constant 0 : index
      %get3A_65 = arith.constant 0 : index
      %get3A_66 = vector.load %arg10[%get3A_64, %get3A_65] : memref<64x128xf32, #tpu.memory_space<vmem>>, vector<64x128xf32>
      %add3A_67 = arith.addf %get3A_66, %dot_general3A_55 : vector<64x128xf32>
      %swap3A_68 = arith.constant 0 : index
      %swap3A_69 = arith.constant 0 : index
      %swap3A_70 = vector.load %arg10[%swap3A_68, %swap3A_69] : memref<64x128xf32, #tpu.memory_space<vmem>>, vector<64x128xf32>
      tpu.vector_store %arg10[%swap3A_68, %swap3A_69], %add3A_67 {strides = array<i32>} : memref<64x128xf32, #tpu.memory_space<vmem>>, vector<64x128xf32>,
    } else {
    }
    return
  }
  func.func @transform_0(%arg0: i32) -> (i32, i32) {
    %c0_i32 = arith.constant 0 : i32
    %c0_i32_0 = arith.constant 0 : i32
    %c0_i32_1 = arith.constant 0 : i32
    return %c0_i32, %c0_i32_0 : i32, i32
  }
  func.func @transform_1(%arg0: i32) -> (i32, i32) {
    %c0_i32 = arith.constant 0 : i32
    %c0_i32_0 = arith.constant 0 : i32
    return %arg0, %c0_i32 : i32, i32
  }
  func.func @transform_2(%arg0: i32) -> (i32, i32, i32) {
    %c0_i32 = arith.constant 0 : i32
    %c0_i32_0 = arith.constant 0 : i32
    %c0_i32_1 = arith.constant 0 : i32
    return %c0_i32, %arg0, %c0_i32_0 : i32, i32, i32
  }
  func.func @transform_3(%arg0: i32) -> (i32, i32) {
    %c0_i32 = arith.constant 0 : i32
    %c0_i32_0 = arith.constant 0 : i32
    %c0_i32_1 = arith.constant 0 : i32
    return %c0_i32, %c0_i32_0 : i32, i32
  }
  func.func @transform_4(%arg0: i32) -> i32 {
    %c0_i32 = arith.constant 0 : i32
    %c0_i32_0 = arith.constant 0 : i32
    return %c0_i32 : i32
  }
  func.func @transform_5(%arg0: i32) -> (i32, i32) {
    %c0_i32 = arith.constant 0 : i32
    %c0_i32_0 = arith.constant 0 : i32
    %c0_i32_1 = arith.constant 0 : i32
    return %c0_i32, %c0_i32_0 : i32, i32
  }
  func.func @transform_6(%arg0: i32) -> i32 {
    %c0_i32 = arith.constant 0 : i32
    %c0_i32_0 = arith.constant 0 : i32
    return %c0_i32 : i32
  }
  func.func @transform_7(%arg0: i32) -> (i32, i32, i32) {
    %c0_i32 = arith.constant 0 : i32
    %c0_i32_0 = arith.constant 0 : i32
    %c0_i32_1 = arith.constant 0 : i32
    return %arg0, %c0_i32, %c0_i32_0 : i32, i32, i32
  }
  func.func @transform_8(%arg0: i32) -> (i32, i32) {
    %c0_i32 = arith.constant 0 : i32
    %c0_i32_0 = arith.constant 0 : i32
    return %arg0, %c0_i32 : i32, i32
  }
  func.func @transform_9(%arg0: i32) -> (i32, i32) {
    %c0_i32 = arith.constant 0 : i32
    %c0_i32_0 = arith.constant 0 : i32
    %c0_i32_1 = arith.constant 0 : i32
    return %c0_i32, %c0_i32_0 : i32, i32
  }
}

</mosaic_0001>

<sc_bundles>
// kernel: kernel.11.cloned.1.call-start
scs
__scs_entry_jumppad:
0x0: {  	(pc) =	sbr.rel $0x88, $3  }
0x1: {  	(tag) =	ssettag $0x0;
	lr =	simm.s32 $0x1  }
0x2: {  	[smem:$0x3F8F] =	sst lr;
	_ =	strace $0xD0000000  }
0x3: {  	_ = 	snop  }
0x4: {  	_ = 	snop  }
0x5: {  	_ = 	snop  }
0x6: {  	_ = 	snop  }
0x7: {  	_ = 	snop  }
__scs_overlays_trampoline_lowered:
0x8: {  	[smem:$0x3F9E] =	sst s0  }
0x9: {  	[smem:$0x3F9F] =	sst s1  }
0xa: {  	[smem:$0x3FA0] =	sst s2  }
0xb: {  	[smem:$0x3FA1] =	sst s3  }
0xc: {  	[smem:$0x3FA2] =	sst s4  }
0xd: {  	[smem:$0x3FA3] =	sst s5  }
0xe: {  	[smem:$0x3FA4] =	sst s6  }
0xf: {  	[smem:$0x3FA5] =	sst s7  }
0x10: {  	[smem:$0x3FA6] =	sst s8  }
0x11: {  	[smem:$0x3FA7] =	sst s9;
	s0 =	simm.s32 @!p0 $0x0  }
0x12: {  	s1 =	sld [smem:$0x3F8D];
	s0 =	simm.s32 @p0 $0x1  }
0x13: {  	[smem:$0x3FA8] =	sst s0;
	s0 =	simm.s32 @!p1 $0x0  }
0x14: {  	s2 =	sld [smem:$0x3F8C];
	s0 =	simm.s32 @p1 $0x1  }
0x15: {  	[smem:$0x3FA9] =	sst s0;
	s0 =	simm.s32 @!p2 $0x0  }
0x16: {  	s3 =	sld [smem:$0x3FDB];
	s0 =	simm.s32 @p2 $0x1  }
0x17: {  	s4 =	simm.s32 $0x1BF5;
	[smem:$0x3FAB] =	sst s0  }
0x18: {  	s0 =	sld [smem:$0x3F8E];
	_ =	swait.ge [sflag:s4], $0x0  }
0x19: {  	s7 =	sld [smem:$0x3F8F]  }
0x1a: {  	s8 =	sadd.s32 $0xFFFFE003, lr  }
0x1b: {  	s9 =	sadd.s32 $0xFFFFFEF7, lr;
	s5 =	simm.s32 $0xFFFFFFFF;
	p2 =	slt.u32 s8, $0xFFFFF086  }
0x1c: {  	p1 =	slt.u32 s9, $0xF7A;
	s5 =	simm.s32 @!p2 $0x0  }
0x1d: {  	s5 =	simm.s32 @p1 $0x1;
	p0 =	seq.s32 s7, s2  }
0x1e: {  	s7 =	smul.u32 @!p0 $0xF7A, s2;
	p2 =	seq.s32 @!p0 s5, $0x0  }
0x1f: {  	s9 =	smul.u32 $0xF7A, s1;
	s8 =	simm.s32 @!p0 $0x1BF5;
	p2 =	por !p2, p0  }
0x20: {  	[sflag:s8] =	ssyncset.s32 @!p0 $0xFFFFF086;
	s6 =	sadd.s32 @!p0 s3, s7;
	s7 =	simm.s32 @!p0 $0x108  }
0x21: {  	s3 =	sadd.s32 s3, s9;
	s6 =	sadd.s32 @!p0 $0x88, s6;
	s7 =	simm.s32 @p2 $0x1082  }
0x22: {  	[simem:s7], [sflag:s8] =	dma.local @!p0 [hbm:s6], $0xF7A  }
0x23: {  	s9 =	sor.u32 $0xD0000000, s2;
	s6 =	simm.s32 $0x108;
	_ =	swait.ge @!p0 [sflag:s8], $0x0  }
0x24: {  	s3 =	sadd.s32 $0x88, s3;
	s6 =	simm.s32 @!p1 $0x1082;
	[sflag:s4] =	ssyncset.s32 $0xFFFFF086  }
0x25: {  	[simem:s6], [sflag:s4] =	dma.local [hbm:s3], $0xF7A  }
0x26: {  	[smem:$0x3F8F] =	sst s1;
	(tag) =	ssettag s2;
	_ =	strace s9  }
0x27: {  	s1 =	sld [smem:$0x3F9F]  }
0x28: {  	s2 =	sld [smem:$0x3FA0]  }
0x29: {  	s4 =	sld [smem:$0x3FA2]  }
0x2a: {  	p0 =	seq.s32 s5, $0x0;
	s5 =	sld [smem:$0x3FA3]  }
0x2b: {  	s6 =	sld [smem:$0x3FA4]  }
0x2c: {  	s7 =	sld [smem:$0x3FA5]  }
0x2d: {  	s3 =	simm.s32 $0x108;
	s8 =	sld [smem:$0x3FA6]  }
0x2e: {  	s3 =	simm.s32 @!p0 $0x1082;
	s9 =	sld [smem:$0x3FA7]  }
0x2f: {  	lr =	sadd.s32 s0, s3;
	s0 =	sld [smem:$0x3F9E]  }
0x30: {  	s3 =	sld [smem:$0x3FA1]  }
0x31: {  	[smem:$0x3FAA] =	sst s10  }
0x32: {  	s10 =	sld [smem:$0x3FA8];
	_ =	sdelay $0x3  }
0x33: {  	p0 =	seq.s32 s10, $0x1;
	s10 =	sld [smem:$0x3FAA];
	_ =	sdelay $0x3  }
0x34: {  	[smem:$0x3FAA] =	sst s10  }
0x35: {  	s10 =	sld [smem:$0x3FA9];
	_ =	sdelay $0x3  }
0x36: {  	p1 =	seq.s32 s10, $0x1;
	s10 =	sld [smem:$0x3FAA];
	_ =	sdelay $0x3  }
0x37: {  	[smem:$0x3FAA] =	sst s10  }
0x38: {  	s10 =	sld [smem:$0x3FAB]  }
0x39: {  	_ = 	snop;
	(pc) =	sbr.ind lr, $3  }
0x3a: {  	_ = 	snop  }
0x3b: {  	_ = 	snop  }
0x3c: {  	p2 =	seq.s32 s10, $0x1;
	s10 =	sld [smem:$0x3FAA]  }
0x3d: {  	_ =	shalt  }
0x3e: {  	_ =	shalt  }
0x3f: {  	_ =	shalt  }
0x40: {  	_ =	shalt  }
0x41: {  	_ =	shalt  }
0x42: {  	_ =	shalt  }
0x43: {  	_ =	shalt  }
0x44: {  	_ =	shalt  }
0x45: {  	_ =	shalt  }
0x46: {  	_ =	shalt  }
0x47: {  	_ =	shalt  }
0x48: {  	_ =	shalt  }
0x49: {  	_ =	shalt  }
0x4a: {  	_ =	shalt  }
0x4b: {  	_ =	shalt  }
0x4c: {  	_ =	shalt  }
0x4d: {  	_ =	shalt  }
0x4e: {  	_ =	shalt  }
0x4f: {  	_ =	shalt  }
0x50: {  	_ =	shalt  }
0x51: {  	_ =	shalt  }
0x52: {  	_ =	shalt  }
0x53: {  	_ =	shalt  }
0x54: {  	_ =	shalt  }
0x55: {  	_ =	shalt  }
0x56: {  	_ =	shalt  }
0x57: {  	_ =	shalt  }
0x58: {  	_ =	shalt  }
0x59: {  	_ =	shalt  }
0x5a: {  	_ =	shalt  }
0x5b: {  	_ =	shalt  }
0x5c: {  	_ =	shalt  }
0x5d: {  	_ =	shalt  }
0x5e: {  	_ =	shalt  }
0x5f: {  	_ =	shalt  }
0x60: {  	_ =	shalt  }
0x61: {  	_ =	shalt  }
0x62: {  	_ =	shalt  }
0x63: {  	_ =	shalt  }
0x64: {  	_ =	shalt  }
0x65: {  	_ =	shalt  }
0x66: {  	_ =	shalt  }
0x67: {  	_ =	shalt  }
0x68: {  	_ =	shalt  }
0x69: {  	_ =	shalt  }
0x6a: {  	_ =	shalt  }
0x6b: {  	_ =	shalt  }
0x6c: {  	_ =	shalt  }
0x6d: {  	_ =	shalt  }
0x6e: {  	_ =	shalt  }
0x6f: {  	_ =	shalt  }
0x70: {  	_ =	shalt  }
0x71: {  	_ =	shalt  }
0x72: {  	_ =	shalt  }
0x73: {  	_ =	shalt  }
0x74: {  	_ =	shalt  }
0x75: {  	_ =	shalt  }
0x76: {  	_ =	shalt  }
0x77: {  	_ =	shalt  }
0x78: {  	_ =	shalt  }
0x79: {  	_ =	shalt  }
0x7a: {  	_ =	shalt  }
0x7b: {  	_ =	shalt  }
0x7c: {  	_ =	shalt  }
0x7d: {  	_ =	shalt  }
0x7e: {  	_ =	shalt  }
0x7f: {  	_ =	shalt  }
0x80: {  	_ =	shalt  }
0x81: {  	_ =	shalt  }
0x82: {  	_ =	shalt  }
0x83: {  	_ =	shalt  }
0x84: {  	_ =	shalt  }
0x85: {  	_ =	shalt  }
0x86: {  	_ =	shalt  }
0x87: {  	_ =	shalt  }
.Lfunc_end0:
.L_simem_size_0:
called_computation.1_lowered:
.L_overlay_start_0:
0x88: {  	s2 =	sld [smem:$0x3FD9]  }
0x89: {  	s3 =	sld [smem:$0x3FFE];
	_ =	sdelay $0x1  }
0x8a: {  	s1 =	srdreg.scid  }
0x8b: {  	s0 =	sand.u32 $0x1, s1  }
0x8c: {  	s16 =	sshll.u32 s0, $0xA;
	s2 =	sadd.s32 s3, s2  }
0x8d: {  	s2 =	sadd.s32 s2, s16  }
0x8e: {  	[smem:$0x3FB6] =	sst s2  }
0x8f: {  	_ = 	snop  }
0x90: {  	(tm) =	ssettm $0x1  }
0x91: {  	s17 =	sld [smem:$0x3FFB];
	_ =	sdelay $0x3  }
0x92: {  	_ =	strace s17  }
0x93: {  	s2 =	sld [smem:$0x3FFC];
	_ =	sdelay $0x3  }
0x94: {  	_ =	strace s2  }
0x95: {  	s2 =	sld [smem:$0x3FFD];
	_ =	sdelay $0x3  }
0x96: {  	_ =	strace s2  }
0x97: {  	_ =	strace $0x8FFFFFFF  }
0x98: {  	s18 =	sld [smem:$0x3FDB];
	_ =	sdelay $0x1  }
0x99: {  	s19 =	simm.s32 $_scs_section_size  }
0x9a: {  	s4 =	simm.s32 $_size__tile_overlayer_lowered;
	s5 =	simm.s32 $_tile_overlayer_lowered  }
0x9b: {  	s22 =	simm.s32 $0x1BFF;
	s21 =	sshll.u32 s5, $0x1;
	s2 =	sadd.s32 s19, s18  }
0x9c: {  	s6 =	simm.s32 $0x0;
	s20 =	sshll.u32 s4, $0x1;
	s4 =	sadd.s32 s21, s2  }
0x9d: {  	[timem:s6], [sflag:s22] =	dma.local [hbm:s4], s20  }
0x9e: {  	_ =	swait.ge [sflag:s22], s20  }
0x9f: {  	s3 =	ssub.s32 $0x0, s20;
	[sflag:s22] =	ssyncset.done $0x0  }
0xa0: {  	[sflag:s22] =	ssyncadd.s32 s3;
	_ =	sdelay $0x1  }
0xa1: {  	s23 =	simm.s32 $0x1B8B  }
0xa2: {  	_ =	swait.ge [sflag:s23], $0x1  }
0xa3: {  	[sflag:s23] =	ssyncset.done $0x0  }
0xa4: {  	s25 =	simm.s32 $0x1B8E;
	s24 =	sld [smem:$0x3FFE];
	[sflag:s23] =	ssyncadd.s32 $0xFFFFFFFF  }
0xa5: {  	s26 =	simm.s32 $execute0_lowered;
	[smem:$0x3FD2] =	sst s25  }
0xa6: {  	s4 =	sshll.u32 s26, $0x1;
	_ =	strace $0x80000049;
	[dreg:$0x1] =	wrdreg $0xFFFFFFFF  }
0xa7: {  	s28 =	simm.s32 $_size_execute0_lowered;
	s2 =	sadd.s32 s2, s4;
	[dreg:$0x0] =	wrdreg $0x0  }
0xa8: {  	s4 =	sshll.u32 s28, $0x1;
	[dreg:$0x2] =	wrdreg s2  }
0xa9: {  	[dreg:$0x3] =	wrdreg s4  }
0xaa: {  	[dreg:$0x4] =	wrdreg $0xC0  }
0xab: {  	_ =	task [dreg:s6], $0x5FFFF  }
0xac: {  	[dreg:$0x1] =	wrdreg $0xFFFFFFFF  }
0xad: {  	[dreg:$0x0] =	wrdreg $0x60  }
0xae: {  	[dreg:$0x2] =	wrdreg s24  }
0xaf: {  	[dreg:$0x3] =	wrdreg $0x4A000  }
0xb0: {  	[dreg:$0x4] =	wrdreg $0x9  }
0xb1: {  	_ =	task.clear_ibuf [dreg:s6], $0x5FFFF;
	_ =	strace $0x90000049  }
0xb2: {  	s29 =	simm.s32 $0x9;
	_ =	strace $0x8000004B  }
0xb3: {  	_ =	swait.ge [sflag:s29], $0x1  }
0xb4: {  	[sflag:s29] =	ssyncadd.s32 $0xFFFFFFFF  }
0xb5: {  	_ =	strace $0x9000004B  }
0xb6: {  	_ =	sfence  }
0xb7: {  	s30 =	sld [smem:$0x0];
	_ =	sdelay $0x2  }
0xb8: {  	s31 =	sshll.u32 s1, $0xD;
	s1 =	sshrl.u32 s1, $0x2  }
0xb9: {  	s3 =	sand.u32 $0x4000, s31;
	s1 =	sadd.s32 s1, s30  }
0xba: {  	s0 =	sor.u32 s3, s0;
	s1 =	sshll.u32 s1, $0x11  }
0xbb: {  	s0 =	sor.u32 s1, s0  }
0xbc: {  	s0 =	sadd.s32 $0x8F2B, s0  }
0xbd: {  	[sflag:s0] =	ssyncadd.remote.s32 $0x1  }
0xbe: {  	_ =	sfence.sel $0xFFFF  }
0xbf: {  	[dreg:$0x0] =	wrdreg $0xFFFFFFFF;
	(pc) =	sbr.abs _section_cstart, $3  }
0xc0: {  	[dreg:$0x1] =	wrdreg $0xFFFFFFFF  }
0xc1: {  	_ =	task.clear_ibuf [dreg:s6], $0x2FFFF;
	_ =	strace $0x9FFFFFFF  }
0xc2: {  	(tm) =	ssettm $0x7FFFFFFF  }
0xc3: {  	_ =	shalt  }
tec
execute0_lowered:
.L_overlay_start_1:
0x0: {  	(tag) =	ssettag $0x1  }
0x1: {  	s4 =	rddreg [dreg:$0x0]  }
0x2: {  	s1 =	rddreg [dreg:$0x1]  }
0x3: {  	s0 =	rddreg [dreg:$0x2];
	s2 =	simm.s32 $0x0;
	s17 =	stileid.u32  }
0x4: {  	s5 =	srdreg.scid;
	s15 =	simm.s32 $0x100;
	s16 =	simm.s32 $0x1  }
0x5: {  	s18 =	simm.s32 $0x4180;
	s19 =	simm.s32 $0x10;
	s20 =	simm.s32 $0x4200  }
0x6: {  	s22 =	simm.s32 $0x0;
	[smem:$0x7FF] =	sst s2;
	s3 =	sadd.s32 $0x3E400, s4  }
0x7: {  	s6 =	smul.u32 $0x3E80, s17;
	s5 =	sand.u32 $0x1, s5;
	s10 =	sadd.s32 $0xD400, s4  }
0x8: {  	s8 =	sshll.u32 s17, $0x1;
	s11 =	smul.u32 $0x7D000, s17;
	s12 =	sadd.s32 $0x3600, s4  }
0x9: {  	s31 =	smul.u32 $0x4E20, s17;
	p0 =	sgt.u32 s17, $0x9;
	p1 =	sne.s32 s17, $0x0  }
0xa: {  	_ =	strace $0x8000004A;
	s7 =	smul.u32 $0x27100, s5;
	s9 =	ssub.s32 $0x2, s5  }
0xb: {  	s8 =	sor.u32 s5, s8;
	s14 =	smul.u32 $0x2710, s5;
	s21 =	sshrl.u32 @!p1 s1, $0x3  }
0xc: {  	s13 =	sshrl.u32 s9, $0x1;
	s8 =	smul.u32 $0x2710, s8;
	s6 =	sadd.s32 s6, s4  }
0xd: {  	s30 =	sshrl.u32 s11, $0x2;
	s7 =	sadd.s32 s7, s4;
	s9 =	ssub.s32 s9, s13  }
0xe: {  	s13 =	sadd.s32 s30, s1;
	s4 =	sadd.s32 $0x17200, s6;
	s11 =	sadd.s32 s14, s31  }
0xf: {  	s14 =	sshll.u32 @!p0 s17, $0x6;
	s17 =	simm.s32 $0x4100;
	s8 =	sshrl.u32 s8, $0x3  }
0x10: {  	s7 =	sadd.s32 $0x65600, s7;
	s11 =	sshrl.u32 s11, $0x3;
	s8 =	sadd.s32 $0x4E0, s8  }
0x11: {  	s5 =	sadd.s32 s10, s8;
	s6 =	sadd.s32 s12, s8;
	s8 =	smax.u32 s9, $0x1  }
0x12: {  	s9 =	sadd.s32 s11, s12;
	s10 =	sadd.s32 s11, s10;
	s11 =	sor.u32 @!p0 $0x1C02, s14  }
0x13: {  	s12 =	sshrl.u32 @!p0 s13, $0x3;
	s13 =	simm.s32 $0x2;
	s14 =	simm.s32 $0x80  }
.LBB2_1:
0x14: {  	[spmem:s12], [sflag:s11] =	dma.local @!p0 [hbm:s4], $0x3E80  }
0x15: {  	s23 =	simm.s32 @!p0 $0x2  }
0x16: {  	_ =	swait.ge @!p0 [sflag:s23], $0x3E80  }
0x17: {  	[sflag:s23] =	ssyncset.done @!p0 $0x0  }
0x18: {  	[sflag:s23] =	ssyncadd.s32 @!p0 $0xFFFFC180  }
0x19: {  	s30 =	sadd.s32 $0x0, s10;
	[bflag:$0x0] =	sbarrier.arrive $0xFFFF  }
0x1a: {  	[tilespmem:s2], [sflag:$0x2] =	stream.linear.gather [hbm4b:s30+s2], $0x80, $0x38;
	[tilespmem:$0x18280] =	vst v63  }
0x1b: {  	_ =	swait.ge [sflag:s13], $0x80  }
0x1c: {  	[sflag:s13] =	ssyncset.done $0x0  }
0x1d: {  	s31 =	sadd.s32 $0x0, s9;
	[sflag:s13] =	ssyncadd.s32 $0xFFFFFF80  }
0x1e: {  	[tilespmem:s14], [sflag:$0x2] =	stream.linear.gather [hbm4b:s31+s2], $0x80, $0x38;
	[tilespmem:$0x18280] =	vst v63  }
0x1f: {  	_ =	swait.ge [sflag:s13], $0x80  }
0x20: {  	[sflag:s13] =	ssyncset.done $0x0  }
0x21: {  	[sflag:s13] =	ssyncadd.s32 $0xFFFFFF80  }
0x22: {  	[tilespmem:s15], [sflag:$0x1] =	stream.indirect.gather [hbm4b:s3+s14], $0x80, s2, s14, $0xb8;
	[tilespmem:$0x18280] =	vst v63  }
0x23: {  	_ =	swait.ge [sflag:s16], $0x4000  }
0x24: {  	[sflag:s16] =	ssyncset.done $0x0  }
0x25: {  	[sflag:s16] =	ssyncadd.s32 $0xFFFFC000  }
0x26: {  	[spmem:s1] =	stream.indirect.scatter.add.f32 [tilespmem:s15], [sflag:$0x2], $0x80, s14, s14, $0xb8;
	[tilespmem:$0x18280] =	vst v63  }
0x27: {  	_ =	swait.ge [sflag:s13], $0x4000  }
0x28: {  	s24 =	simm.s32 $0x20;
	s23 =	simm.s32 $0x10;
	[sflag:s13] =	ssyncset.done $0x0  }
.LBB2_2:
0x29: {  	s25 =	sadd.s32 s23, s10  }
0x2a: {  	[sflag:s13] =	ssyncadd.s32 $0xFFFFC000;
	s26 =	smov.u32 s24;
	s28 =	sadd.s32 $0x10, s24  }
0x2b: {  	[tilespmem:s2], [sflag:$0x2] =	stream.linear.gather [hbm4b:s25+s2], $0x80, $0x38;
	[tilespmem:$0x18280] =	vst v63  }
0x2c: {  	p2 =	sne.s32 s24, $0x4D0;
	_ =	swait.ge [sflag:s13], $0x80  }
0x2d: {  	[sflag:s13] =	ssyncset.done $0x0  }
0x2e: {  	s24 =	sadd.s32 s23, s9;
	s23 =	smov.u32 s26;
	[sflag:s13] =	ssyncadd.s32 $0xFFFFFF80  }
0x2f: {  	[tilespmem:s14], [sflag:$0x2] =	stream.linear.gather [hbm4b:s24+s2], $0x80, $0x38;
	[tilespmem:$0x18280] =	vst v63  }
0x30: {  	_ =	swait.ge [sflag:s13], $0x80  }
0x31: {  	[sflag:s13] =	ssyncset.done $0x0  }
0x32: {  	[sflag:s13] =	ssyncadd.s32 $0xFFFFFF80  }
0x33: {  	[tilespmem:s15], [sflag:$0x1] =	stream.indirect.gather [hbm4b:s3+s14], $0x80, s2, s14, $0xb8;
	[tilespmem:$0x18280] =	vst v63  }
0x34: {  	_ =	swait.ge [sflag:s16], $0x4000  }
.Ltmp0:
0x35: {  	[sflag:s16] =	ssyncset.done $0x0;
	(pc) =	sbr.rel @p2 .LBB2_2-.Ltmp0, $4  }
0x36: {  	[sflag:s16] =	ssyncadd.s32 $0xFFFFC000  }
0x37: {  	[spmem:s1] =	stream.indirect.scatter.add.f32 [tilespmem:s15], [sflag:$0x2], $0x80, s14, s14, $0xb8;
	[tilespmem:$0x18280] =	vst v63  }
0x38: {  	_ =	swait.ge [sflag:s13], $0x4000  }
0x39: {  	s24 =	smov.u32 s28;
	[sflag:s13] =	ssyncset.done $0x0  }
0x3a: {  	s24 =	sadd.s32 s23, s10;
	[sflag:s13] =	ssyncadd.s32 $0xFFFFC000  }
0x3b: {  	[tilespmem:s2], [sflag:$0x2] =	stream.linear.gather [hbm4b:s24+s2], $0x80, $0x38;
	[tilespmem:$0x18280] =	vst v63  }
0x3c: {  	_ =	swait.ge [sflag:s13], $0x80  }
0x3d: {  	[sflag:s13] =	ssyncset.done $0x0  }
0x3e: {  	s31 =	sadd.s32 s23, s9;
	[sflag:s13] =	ssyncadd.s32 $0xFFFFFF80  }
0x3f: {  	[tilespmem:s14], [sflag:$0x2] =	stream.linear.gather [hbm4b:s31+s2], $0x80, $0x38;
	[tilespmem:$0x18280] =	vst v63  }
0x40: {  	_ =	swait.ge [sflag:s13], $0x80  }
0x41: {  	[sflag:s13] =	ssyncset.done $0x0  }
0x42: {  	[sflag:s13] =	ssyncadd.s32 $0xFFFFFF80  }
0x43: {  	[tilespmem:s15], [sflag:$0x1] =	stream.indirect.gather [hbm4b:s3+s14], $0x80, s2, s14, $0xb8;
	[tilespmem:$0x18280] =	vst v63  }
0x44: {  	_ =	swait.ge [sflag:s16], $0x4000  }
0x45: {  	[sflag:s16] =	ssyncset.done $0x0  }
0x46: {  	[sflag:s16] =	ssyncadd.s32 $0xFFFFC000  }
0x47: {  	[spmem:s1] =	stream.indirect.scatter.add.f32 [tilespmem:s15], [sflag:$0x2], $0x80, s14, s14, $0xb8;
	[tilespmem:$0x18280] =	vst v63  }
0x48: {  	_ =	swait.ge [sflag:s13], $0x4000  }
0x49: {  	[sflag:s13] =	ssyncset.done $0x0  }
0x4a: {  	[sflag:s13] =	ssyncadd.s32 $0xFFFFC000  }
0x4b: {  	[tilespmem:s17], [sflag:$0x2] =	stream.linear.gather [hbm4b:s5+s2], $0x10, $0x38;
	[tilespmem:$0x18280] =	vst v63  }
0x4c: {  	_ =	swait.ge [sflag:s13], $0x10  }
0x4d: {  	[sflag:s13] =	ssyncset.done $0x0  }
0x4e: {  	[sflag:s13] =	ssyncadd.s32 $0xFFFFFFF0  }
0x4f: {  	[tilespmem:s18], [sflag:$0x2] =	stream.linear.gather [hbm4b:s6+s2], $0x10, $0x38;
	[tilespmem:$0x18280] =	vst v63  }
0x50: {  	_ =	swait.ge [sflag:s13], $0x10  }
0x51: {  	[sflag:s13] =	ssyncset.done $0x0  }
0x52: {  	[sflag:s13] =	ssyncadd.s32 $0xFFFFFFF0  }
0x53: {  	[tilespmem:s20], [sflag:$0x1] =	stream.indirect.gather [hbm4b:s3+s19], $0x80, s17, s19, $0xb8;
	[tilespmem:$0x18280] =	vst v63  }
0x54: {  	_ =	swait.ge [sflag:s16], $0x800  }
0x55: {  	[sflag:s16] =	ssyncset.done $0x0  }
0x56: {  	[sflag:s16] =	ssyncadd.s32 $0xFFFFF800  }
0x57: {  	[spmem:s1] =	stream.indirect.scatter.add.f32 [tilespmem:s20], [sflag:$0x2], $0x80, s18, s19, $0xb8;
	[tilespmem:$0x18280] =	vst v63  }
0x58: {  	_ =	swait.ge [sflag:s13], $0x800  }
0x59: {  	[sflag:s13] =	ssyncset.done $0x0  }
0x5a: {  	s22 =	sadd.s32 $0x1, s22;
	[sflag:s13] =	ssyncadd.s32 $0xFFFFF800  }
0x5b: {  	s23 =	simm.s32 @!p1 $0x1C02;
	p2 =	sne.s32 s22, s8;
	[bflag:$0x0] =	sbarrier.arrive $0xFFFF  }
0x5c: {  	[hbm:s7], [sflag:s23] =	dma.local @!p1 [spmem:s21], $0x27100  }
.Ltmp1:
0x5d: {  	_ = 	snop;
	(pc) =	sbr.rel @p2 .LBB2_1-.Ltmp1, $4  }
0x5e: {  	s23 =	simm.s32 @!p1 $0x2  }
0x5f: {  	_ =	swait.ge @!p1 [sflag:s23], $0x27100  }
0x60: {  	[sflag:s23] =	ssyncset.done @!p1 $0x0  }
0x61: {  	[sflag:s23] =	ssyncadd.s32 @!p1 $0xFFFD8F00  }
0x62: {  	_ =	sfence.sel $0x180000  }
0x63: {  	[bflag:$0x0] =	sbarrier.arrive $0xFFFF  }
0x64: {  	_ =	strace $0x9000004A  }
0x65: {  	s0 =	sadd.s32 @!p1 $0x100000, s0;
	[bflag:$0x2] =	sbarrier.arrive $0xFFFF  }
0x66: {  	[sflag:s0] =	ssyncadd.tile.s32 @!p1 $0x1;
	_ =	shalt  }
.Lfunc_end2:
_tile_overlayer_lowered:
.L_overlay_start_2:
0x67: {  	(tag) =	ssettag $0x2  }
0x68: {  	s0 =	rddreg [dreg:$0x0];
	s2 =	stileid.u32  }
0x69: {  	s1 =	rddreg [dreg:$0x1];
	p0 =	sne.s32 s2, $0x0  }
0x6a: {  	s3 =	rddreg [dreg:$0x2];
	[bflag:$0x3] =	sbarrier.arrive $0xFFFF;
	s2 =	simm.s32 @!p0 $0x1C02  }
0x6b: {  	[timem:s3], [sflag:s2] =	dma.local @!p0 [hbm:s0], s1  }
0x6c: {  	s0 =	simm.s32 @!p0 $0x2  }
0x6d: {  	_ =	swait.ge @!p0 [sflag:s0], s1  }
0x6e: {  	s1 =	ssub.s32 @!p0 $0x0, s1;
	[sflag:s0] =	ssyncset.done @!p0 $0x0  }
0x6f: {  	[sflag:s0] =	ssyncadd.s32 @!p0 s1  }
0x70: {  	[bflag:$0x3] =	sbarrier.arrive $0xFFFF  }
0x71: {  	_ =	shalt  }

// kernel: kernel.14.cloned.1.call-start
scs
__scs_entry_jumppad:
0x0: {  	(pc) =	sbr.rel $0x88, $3  }
0x1: {  	(tag) =	ssettag $0x0;
	lr =	simm.s32 $0x1  }
0x2: {  	[smem:$0x3F8F] =	sst lr;
	_ =	strace $0xD0000000  }
0x3: {  	_ = 	snop  }
0x4: {  	_ = 	snop  }
0x5: {  	_ = 	snop  }
0x6: {  	_ = 	snop  }
0x7: {  	_ = 	snop  }
__scs_overlays_trampoline_lowered:
0x8: {  	[smem:$0x3F9E] =	sst s0  }
0x9: {  	[smem:$0x3F9F] =	sst s1  }
0xa: {  	[smem:$0x3FA0] =	sst s2  }
0xb: {  	[smem:$0x3FA1] =	sst s3  }
0xc: {  	[smem:$0x3FA2] =	sst s4  }
0xd: {  	[smem:$0x3FA3] =	sst s5  }
0xe: {  	[smem:$0x3FA4] =	sst s6  }
0xf: {  	[smem:$0x3FA5] =	sst s7  }
0x10: {  	[smem:$0x3FA6] =	sst s8  }
0x11: {  	[smem:$0x3FA7] =	sst s9;
	s0 =	simm.s32 @!p0 $0x0  }
0x12: {  	s1 =	sld [smem:$0x3F8D];
	s0 =	simm.s32 @p0 $0x1  }
0x13: {  	[smem:$0x3FA8] =	sst s0;
	s0 =	simm.s32 @!p1 $0x0  }
0x14: {  	s2 =	sld [smem:$0x3F8C];
	s0 =	simm.s32 @p1 $0x1  }
0x15: {  	[smem:$0x3FA9] =	sst s0;
	s0 =	simm.s32 @!p2 $0x0  }
0x16: {  	s3 =	sld [smem:$0x3FDB];
	s0 =	simm.s32 @p2 $0x1  }
0x17: {  	s4 =	simm.s32 $0x1BF5;
	[smem:$0x3FAB] =	sst s0  }
0x18: {  	s0 =	sld [smem:$0x3F8E];
	_ =	swait.ge [sflag:s4], $0x0  }
0x19: {  	s7 =	sld [smem:$0x3F8F]  }
0x1a: {  	s8 =	sadd.s32 $0xFFFFE003, lr  }
0x1b: {  	s9 =	sadd.s32 $0xFFFFFEF7, lr;
	s5 =	simm.s32 $0xFFFFFFFF;
	p2 =	slt.u32 s8, $0xFFFFF086  }
0x1c: {  	p1 =	slt.u32 s9, $0xF7A;
	s5 =	simm.s32 @!p2 $0x0  }
0x1d: {  	s5 =	simm.s32 @p1 $0x1;
	p0 =	seq.s32 s7, s2  }
0x1e: {  	s7 =	smul.u32 @!p0 $0xF7A, s2;
	p2 =	seq.s32 @!p0 s5, $0x0  }
0x1f: {  	s9 =	smul.u32 $0xF7A, s1;
	s8 =	simm.s32 @!p0 $0x1BF5;
	p2 =	por !p2, p0  }
0x20: {  	[sflag:s8] =	ssyncset.s32 @!p0 $0xFFFFF086;
	s6 =	sadd.s32 @!p0 s3, s7;
	s7 =	simm.s32 @!p0 $0x108  }
0x21: {  	s3 =	sadd.s32 s3, s9;
	s6 =	sadd.s32 @!p0 $0x88, s6;
	s7 =	simm.s32 @p2 $0x1082  }
0x22: {  	[simem:s7], [sflag:s8] =	dma.local @!p0 [hbm:s6], $0xF7A  }
0x23: {  	s9 =	sor.u32 $0xD0000000, s2;
	s6 =	simm.s32 $0x108;
	_ =	swait.ge @!p0 [sflag:s8], $0x0  }
0x24: {  	s3 =	sadd.s32 $0x88, s3;
	s6 =	simm.s32 @!p1 $0x1082;
	[sflag:s4] =	ssyncset.s32 $0xFFFFF086  }
0x25: {  	[simem:s6], [sflag:s4] =	dma.local [hbm:s3], $0xF7A  }
0x26: {  	[smem:$0x3F8F] =	sst s1;
	(tag) =	ssettag s2;
	_ =	strace s9  }
0x27: {  	s1 =	sld [smem:$0x3F9F]  }
0x28: {  	s2 =	sld [smem:$0x3FA0]  }
0x29: {  	s4 =	sld [smem:$0x3FA2]  }
0x2a: {  	p0 =	seq.s32 s5, $0x0;
	s5 =	sld [smem:$0x3FA3]  }
0x2b: {  	s6 =	sld [smem:$0x3FA4]  }
0x2c: {  	s7 =	sld [smem:$0x3FA5]  }
0x2d: {  	s3 =	simm.s32 $0x108;
	s8 =	sld [smem:$0x3FA6]  }
0x2e: {  	s3 =	simm.s32 @!p0 $0x1082;
	s9 =	sld [smem:$0x3FA7]  }
0x2f: {  	lr =	sadd.s32 s0, s3;
	s0 =	sld [smem:$0x3F9E]  }
0x30: {  	s3 =	sld [smem:$0x3FA1]  }
0x31: {  	[smem:$0x3FAA] =	sst s10  }
0x32: {  	s10 =	sld [smem:$0x3FA8];
	_ =	sdelay $0x3  }
0x33: {  	p0 =	seq.s32 s10, $0x1;
	s10 =	sld [smem:$0x3FAA];
	_ =	sdelay $0x3  }
0x34: {  	[smem:$0x3FAA] =	sst s10  }
0x35: {  	s10 =	sld [smem:$0x3FA9];
	_ =	sdelay $0x3  }
0x36: {  	p1 =	seq.s32 s10, $0x1;
	s10 =	sld [smem:$0x3FAA];
	_ =	sdelay $0x3  }
0x37: {  	[smem:$0x3FAA] =	sst s10  }
0x38: {  	s10 =	sld [smem:$0x3FAB]  }
0x39: {  	_ = 	snop;
	(pc) =	sbr.ind lr, $3  }
0x3a: {  	_ = 	snop  }
0x3b: {  	_ = 	snop  }
0x3c: {  	p2 =	seq.s32 s10, $0x1;
	s10 =	sld [smem:$0x3FAA]  }
0x3d: {  	_ =	shalt  }
0x3e: {  	_ =	shalt  }
0x3f: {  	_ =	shalt  }
0x40: {  	_ =	shalt  }
0x41: {  	_ =	shalt  }
0x42: {  	_ =	shalt  }
0x43: {  	_ =	shalt  }
0x44: {  	_ =	shalt  }
0x45: {  	_ =	shalt  }
0x46: {  	_ =	shalt  }
0x47: {  	_ =	shalt  }
0x48: {  	_ =	shalt  }
0x49: {  	_ =	shalt  }
0x4a: {  	_ =	shalt  }
0x4b: {  	_ =	shalt  }
0x4c: {  	_ =	shalt  }
0x4d: {  	_ =	shalt  }
0x4e: {  	_ =	shalt  }
0x4f: {  	_ =	shalt  }
0x50: {  	_ =	shalt  }
0x51: {  	_ =	shalt  }
0x52: {  	_ =	shalt  }
0x53: {  	_ =	shalt  }
0x54: {  	_ =	shalt  }
0x55: {  	_ =	shalt  }
0x56: {  	_ =	shalt  }
0x57: {  	_ =	shalt  }
0x58: {  	_ =	shalt  }
0x59: {  	_ =	shalt  }
0x5a: {  	_ =	shalt  }
0x5b: {  	_ =	shalt  }
0x5c: {  	_ =	shalt  }
0x5d: {  	_ =	shalt  }
0x5e: {  	_ =	shalt  }
0x5f: {  	_ =	shalt  }
0x60: {  	_ =	shalt  }
0x61: {  	_ =	shalt  }
0x62: {  	_ =	shalt  }
0x63: {  	_ =	shalt  }
0x64: {  	_ =	shalt  }
0x65: {  	_ =	shalt  }
0x66: {  	_ =	shalt  }
0x67: {  	_ =	shalt  }
0x68: {  	_ =	shalt  }
0x69: {  	_ =	shalt  }
0x6a: {  	_ =	shalt  }
0x6b: {  	_ =	shalt  }
0x6c: {  	_ =	shalt  }
0x6d: {  	_ =	shalt  }
0x6e: {  	_ =	shalt  }
0x6f: {  	_ =	shalt  }
0x70: {  	_ =	shalt  }
0x71: {  	_ =	shalt  }
0x72: {  	_ =	shalt  }
0x73: {  	_ =	shalt  }
0x74: {  	_ =	shalt  }
0x75: {  	_ =	shalt  }
0x76: {  	_ =	shalt  }
0x77: {  	_ =	shalt  }
0x78: {  	_ =	shalt  }
0x79: {  	_ =	shalt  }
0x7a: {  	_ =	shalt  }
0x7b: {  	_ =	shalt  }
0x7c: {  	_ =	shalt  }
0x7d: {  	_ =	shalt  }
0x7e: {  	_ =	shalt  }
0x7f: {  	_ =	shalt  }
0x80: {  	_ =	shalt  }
0x81: {  	_ =	shalt  }
0x82: {  	_ =	shalt  }
0x83: {  	_ =	shalt  }
0x84: {  	_ =	shalt  }
0x85: {  	_ =	shalt  }
0x86: {  	_ =	shalt  }
0x87: {  	_ =	shalt  }
.Lfunc_end0:
.L_simem_size_0:
called_computation.2_lowered:
.L_overlay_start_0:
0x88: {  	s2 =	sld [smem:$0x3FD9]  }
0x89: {  	s3 =	sld [smem:$0x3FFE];
	_ =	sdelay $0x1  }
0x8a: {  	s1 =	srdreg.scid  }
0x8b: {  	s0 =	sand.u32 $0x1, s1  }
0x8c: {  	s16 =	sshll.u32 s0, $0xA;
	s2 =	sadd.s32 s3, s2  }
0x8d: {  	s2 =	sadd.s32 s2, s16  }
0x8e: {  	[smem:$0x3FB6] =	sst s2  }
0x8f: {  	_ = 	snop  }
0x90: {  	(tm) =	ssettm $0x1  }
0x91: {  	s17 =	sld [smem:$0x3FFB];
	_ =	sdelay $0x3  }
0x92: {  	_ =	strace s17  }
0x93: {  	s2 =	sld [smem:$0x3FFC];
	_ =	sdelay $0x3  }
0x94: {  	_ =	strace s2  }
0x95: {  	s2 =	sld [smem:$0x3FFD];
	_ =	sdelay $0x3  }
0x96: {  	_ =	strace s2  }
0x97: {  	_ =	strace $0x8FFFFFFF  }
0x98: {  	s18 =	sld [smem:$0x3FDB];
	_ =	sdelay $0x1  }
0x99: {  	s19 =	simm.s32 $_scs_section_size  }
0x9a: {  	s4 =	simm.s32 $_size__tile_overlayer_lowered;
	s5 =	simm.s32 $_tile_overlayer_lowered  }
0x9b: {  	s22 =	simm.s32 $0x1BFF;
	s21 =	sshll.u32 s5, $0x1;
	s2 =	sadd.s32 s19, s18  }
0x9c: {  	s6 =	simm.s32 $0x0;
	s20 =	sshll.u32 s4, $0x1;
	s4 =	sadd.s32 s21, s2  }
0x9d: {  	[timem:s6], [sflag:s22] =	dma.local [hbm:s4], s20  }
0x9e: {  	_ =	swait.ge [sflag:s22], s20  }
0x9f: {  	s3 =	ssub.s32 $0x0, s20;
	[sflag:s22] =	ssyncset.done $0x0  }
0xa0: {  	[sflag:s22] =	ssyncadd.s32 s3;
	_ =	sdelay $0x1  }
0xa1: {  	s23 =	simm.s32 $0x1B8B  }
0xa2: {  	_ =	swait.ge [sflag:s23], $0x1  }
0xa3: {  	[sflag:s23] =	ssyncset.done $0x0  }
0xa4: {  	s25 =	simm.s32 $0x1B8E;
	s24 =	sld [smem:$0x3FFE];
	[sflag:s23] =	ssyncadd.s32 $0xFFFFFFFF  }
0xa5: {  	s26 =	simm.s32 $execute0_lowered;
	[smem:$0x3FD2] =	sst s25  }
0xa6: {  	s4 =	sshll.u32 s26, $0x1;
	_ =	strace $0x8000004C;
	[dreg:$0x1] =	wrdreg $0xFFFFFFFF  }
0xa7: {  	s28 =	simm.s32 $_size_execute0_lowered;
	s2 =	sadd.s32 s2, s4;
	[dreg:$0x0] =	wrdreg $0x0  }
0xa8: {  	s4 =	sshll.u32 s28, $0x1;
	[dreg:$0x2] =	wrdreg s2  }
0xa9: {  	[dreg:$0x3] =	wrdreg s4  }
0xaa: {  	[dreg:$0x4] =	wrdreg $0xC0  }
0xab: {  	_ =	task [dreg:s6], $0x5FFFF  }
0xac: {  	[dreg:$0x1] =	wrdreg $0xFFFFFFFF  }
0xad: {  	[dreg:$0x0] =	wrdreg $0x60  }
0xae: {  	[dreg:$0x2] =	wrdreg s24  }
0xaf: {  	[dreg:$0x3] =	wrdreg $0x4A000  }
0xb0: {  	[dreg:$0x4] =	wrdreg $0x9  }
0xb1: {  	_ =	task.clear_ibuf [dreg:s6], $0x5FFFF;
	_ =	strace $0x9000004C  }
0xb2: {  	s29 =	simm.s32 $0x9;
	_ =	strace $0x8000004E  }
0xb3: {  	_ =	swait.ge [sflag:s29], $0x1  }
0xb4: {  	[sflag:s29] =	ssyncadd.s32 $0xFFFFFFFF  }
0xb5: {  	_ =	strace $0x9000004E  }
0xb6: {  	_ =	sfence  }
0xb7: {  	s30 =	sld [smem:$0x0];
	_ =	sdelay $0x2  }
0xb8: {  	s31 =	sshll.u32 s1, $0xD;
	s1 =	sshrl.u32 s1, $0x2  }
0xb9: {  	s3 =	sand.u32 $0x4000, s31;
	s1 =	sadd.s32 s1, s30  }
0xba: {  	s0 =	sor.u32 s3, s0;
	s1 =	sshll.u32 s1, $0x11  }
0xbb: {  	s0 =	sor.u32 s1, s0  }
0xbc: {  	s0 =	sadd.s32 $0x8F2B, s0  }
0xbd: {  	[sflag:s0] =	ssyncadd.remote.s32 $0x1  }
0xbe: {  	_ =	sfence.sel $0xFFFF  }
0xbf: {  	[dreg:$0x0] =	wrdreg $0xFFFFFFFF;
	(pc) =	sbr.abs _section_cstart, $3  }
0xc0: {  	[dreg:$0x1] =	wrdreg $0xFFFFFFFF  }
0xc1: {  	_ =	task.clear_ibuf [dreg:s6], $0x2FFFF;
	_ =	strace $0x9FFFFFFF  }
0xc2: {  	(tm) =	ssettm $0x7FFFFFFF  }
0xc3: {  	_ =	shalt  }
tec
execute0_lowered:
.L_overlay_start_1:
0x0: {  	(tag) =	ssettag $0x1  }
0x1: {  	s4 =	rddreg [dreg:$0x0]  }
0x2: {  	s1 =	rddreg [dreg:$0x1]  }
0x3: {  	s0 =	rddreg [dreg:$0x2];
	s2 =	simm.s32 $0x0;
	s17 =	stileid.u32  }
0x4: {  	s5 =	srdreg.scid;
	s15 =	simm.s32 $0x100;
	s16 =	simm.s32 $0x1  }
0x5: {  	s18 =	simm.s32 $0x4180;
	s19 =	simm.s32 $0x10;
	s20 =	simm.s32 $0x4200  }
0x6: {  	s22 =	simm.s32 $0x0;
	[smem:$0x7FF] =	sst s2;
	s3 =	sadd.s32 $0x3E400, s4  }
0x7: {  	s6 =	smul.u32 $0x3E80, s17;
	s5 =	sand.u32 $0x1, s5;
	s10 =	sadd.s32 $0xD400, s4  }
0x8: {  	s8 =	sshll.u32 s17, $0x1;
	s11 =	smul.u32 $0x7D000, s17;
	s12 =	sadd.s32 $0x3600, s4  }
0x9: {  	s31 =	smul.u32 $0x4E20, s17;
	p0 =	sgt.u32 s17, $0x9;
	p1 =	sne.s32 s17, $0x0  }
0xa: {  	_ =	strace $0x8000004D;
	s7 =	smul.u32 $0x27100, s5;
	s9 =	ssub.s32 $0x2, s5  }
0xb: {  	s8 =	sor.u32 s5, s8;
	s14 =	smul.u32 $0x2710, s5;
	s21 =	sshrl.u32 @!p1 s1, $0x3  }
0xc: {  	s13 =	sshrl.u32 s9, $0x1;
	s8 =	smul.u32 $0x2710, s8;
	s6 =	sadd.s32 s6, s4  }
0xd: {  	s30 =	sshrl.u32 s11, $0x2;
	s7 =	sadd.s32 s7, s4;
	s9 =	ssub.s32 s9, s13  }
0xe: {  	s13 =	sadd.s32 s30, s1;
	s4 =	sadd.s32 $0x17200, s6;
	s11 =	sadd.s32 s14, s31  }
0xf: {  	s14 =	sshll.u32 @!p0 s17, $0x6;
	s17 =	simm.s32 $0x4100;
	s8 =	sshrl.u32 s8, $0x3  }
0x10: {  	s7 =	sadd.s32 $0x65600, s7;
	s11 =	sshrl.u32 s11, $0x3;
	s8 =	sadd.s32 $0x4E0, s8  }
0x11: {  	s5 =	sadd.s32 s10, s8;
	s6 =	sadd.s32 s12, s8;
	s8 =	smax.u32 s9, $0x1  }
0x12: {  	s9 =	sadd.s32 s11, s12;
	s10 =	sadd.s32 s11, s10;
	s11 =	sor.u32 @!p0 $0x1C02, s14  }
0x13: {  	s12 =	sshrl.u32 @!p0 s13, $0x3;
	s13 =	simm.s32 $0x2;
	s14 =	simm.s32 $0x80  }
.LBB2_1:
0x14: {  	[spmem:s12], [sflag:s11] =	dma.local @!p0 [hbm:s4], $0x3E80  }
0x15: {  	s23 =	simm.s32 @!p0 $0x2  }
0x16: {  	_ =	swait.ge @!p0 [sflag:s23], $0x3E80  }
0x17: {  	[sflag:s23] =	ssyncset.done @!p0 $0x0  }
0x18: {  	[sflag:s23] =	ssyncadd.s32 @!p0 $0xFFFFC180  }
0x19: {  	s30 =	sadd.s32 $0x0, s10;
	[bflag:$0x0] =	sbarrier.arrive $0xFFFF  }
0x1a: {  	[tilespmem:s2], [sflag:$0x2] =	stream.linear.gather [hbm4b:s30+s2], $0x80, $0x38;
	[tilespmem:$0x18280] =	vst v63  }
0x1b: {  	_ =	swait.ge [sflag:s13], $0x80  }
0x1c: {  	[sflag:s13] =	ssyncset.done $0x0  }
0x1d: {  	s31 =	sadd.s32 $0x0, s9;
	[sflag:s13] =	ssyncadd.s32 $0xFFFFFF80  }
0x1e: {  	[tilespmem:s14], [sflag:$0x2] =	stream.linear.gather [hbm4b:s31+s2], $0x80, $0x38;
	[tilespmem:$0x18280] =	vst v63  }
0x1f: {  	_ =	swait.ge [sflag:s13], $0x80  }
0x20: {  	[sflag:s13] =	ssyncset.done $0x0  }
0x21: {  	[sflag:s13] =	ssyncadd.s32 $0xFFFFFF80  }
0x22: {  	[tilespmem:s15], [sflag:$0x1] =	stream.indirect.gather [hbm4b:s3+s14], $0x80, s2, s14, $0xb8;
	[tilespmem:$0x18280] =	vst v63  }
0x23: {  	_ =	swait.ge [sflag:s16], $0x4000  }
0x24: {  	[sflag:s16] =	ssyncset.done $0x0  }
0x25: {  	[sflag:s16] =	ssyncadd.s32 $0xFFFFC000  }
0x26: {  	[spmem:s1] =	stream.indirect.scatter.add.f32 [tilespmem:s15], [sflag:$0x2], $0x80, s14, s14, $0xb8;
	[tilespmem:$0x18280] =	vst v63  }
0x27: {  	_ =	swait.ge [sflag:s13], $0x4000  }
0x28: {  	s24 =	simm.s32 $0x20;
	s23 =	simm.s32 $0x10;
	[sflag:s13] =	ssyncset.done $0x0  }
.LBB2_2:
0x29: {  	s25 =	sadd.s32 s23, s10  }
0x2a: {  	[sflag:s13] =	ssyncadd.s32 $0xFFFFC000;
	s26 =	smov.u32 s24;
	s28 =	sadd.s32 $0x10, s24  }
0x2b: {  	[tilespmem:s2], [sflag:$0x2] =	stream.linear.gather [hbm4b:s25+s2], $0x80, $0x38;
	[tilespmem:$0x18280] =	vst v63  }
0x2c: {  	p2 =	sne.s32 s24, $0x4D0;
	_ =	swait.ge [sflag:s13], $0x80  }
0x2d: {  	[sflag:s13] =	ssyncset.done $0x0  }
0x2e: {  	s24 =	sadd.s32 s23, s9;
	s23 =	smov.u32 s26;
	[sflag:s13] =	ssyncadd.s32 $0xFFFFFF80  }
0x2f: {  	[tilespmem:s14], [sflag:$0x2] =	stream.linear.gather [hbm4b:s24+s2], $0x80, $0x38;
	[tilespmem:$0x18280] =	vst v63  }
0x30: {  	_ =	swait.ge [sflag:s13], $0x80  }
0x31: {  	[sflag:s13] =	ssyncset.done $0x0  }
0x32: {  	[sflag:s13] =	ssyncadd.s32 $0xFFFFFF80  }
0x33: {  	[tilespmem:s15], [sflag:$0x1] =	stream.indirect.gather [hbm4b:s3+s14], $0x80, s2, s14, $0xb8;
	[tilespmem:$0x18280] =	vst v63  }
0x34: {  	_ =	swait.ge [sflag:s16], $0x4000  }
.Ltmp0:
0x35: {  	[sflag:s16] =	ssyncset.done $0x0;
	(pc) =	sbr.rel @p2 .LBB2_2-.Ltmp0, $4  }
0x36: {  	[sflag:s16] =	ssyncadd.s32 $0xFFFFC000  }
0x37: {  	[spmem:s1] =	stream.indirect.scatter.add.f32 [tilespmem:s15], [sflag:$0x2], $0x80, s14, s14, $0xb8;
	[tilespmem:$0x18280] =	vst v63  }
0x38: {  	_ =	swait.ge [sflag:s13], $0x4000  }
0x39: {  	s24 =	smov.u32 s28;
	[sflag:s13] =	ssyncset.done $0x0  }
0x3a: {  	s24 =	sadd.s32 s23, s10;
	[sflag:s13] =	ssyncadd.s32 $0xFFFFC000  }
0x3b: {  	[tilespmem:s2], [sflag:$0x2] =	stream.linear.gather [hbm4b:s24+s2], $0x80, $0x38;
	[tilespmem:$0x18280] =	vst v63  }
0x3c: {  	_ =	swait.ge [sflag:s13], $0x80  }
0x3d: {  	[sflag:s13] =	ssyncset.done $0x0  }
0x3e: {  	s31 =	sadd.s32 s23, s9;
	[sflag:s13] =	ssyncadd.s32 $0xFFFFFF80  }
0x3f: {  	[tilespmem:s14], [sflag:$0x2] =	stream.linear.gather [hbm4b:s31+s2], $0x80, $0x38;
	[tilespmem:$0x18280] =	vst v63  }
0x40: {  	_ =	swait.ge [sflag:s13], $0x80  }
0x41: {  	[sflag:s13] =	ssyncset.done $0x0  }
0x42: {  	[sflag:s13] =	ssyncadd.s32 $0xFFFFFF80  }
0x43: {  	[tilespmem:s15], [sflag:$0x1] =	stream.indirect.gather [hbm4b:s3+s14], $0x80, s2, s14, $0xb8;
	[tilespmem:$0x18280] =	vst v63  }
0x44: {  	_ =	swait.ge [sflag:s16], $0x4000  }
0x45: {  	[sflag:s16] =	ssyncset.done $0x0  }
0x46: {  	[sflag:s16] =	ssyncadd.s32 $0xFFFFC000  }
0x47: {  	[spmem:s1] =	stream.indirect.scatter.add.f32 [tilespmem:s15], [sflag:$0x2], $0x80, s14, s14, $0xb8;
	[tilespmem:$0x18280] =	vst v63  }
0x48: {  	_ =	swait.ge [sflag:s13], $0x4000  }
0x49: {  	[sflag:s13] =	ssyncset.done $0x0  }
0x4a: {  	[sflag:s13] =	ssyncadd.s32 $0xFFFFC000  }
0x4b: {  	[tilespmem:s17], [sflag:$0x2] =	stream.linear.gather [hbm4b:s5+s2], $0x10, $0x38;
	[tilespmem:$0x18280] =	vst v63  }
0x4c: {  	_ =	swait.ge [sflag:s13], $0x10  }
0x4d: {  	[sflag:s13] =	ssyncset.done $0x0  }
0x4e: {  	[sflag:s13] =	ssyncadd.s32 $0xFFFFFFF0  }
0x4f: {  	[tilespmem:s18], [sflag:$0x2] =	stream.linear.gather [hbm4b:s6+s2], $0x10, $0x38;
	[tilespmem:$0x18280] =	vst v63  }
0x50: {  	_ =	swait.ge [sflag:s13], $0x10  }
0x51: {  	[sflag:s13] =	ssyncset.done $0x0  }
0x52: {  	[sflag:s13] =	ssyncadd.s32 $0xFFFFFFF0  }
0x53: {  	[tilespmem:s20], [sflag:$0x1] =	stream.indirect.gather [hbm4b:s3+s19], $0x80, s17, s19, $0xb8;
	[tilespmem:$0x18280] =	vst v63  }
0x54: {  	_ =	swait.ge [sflag:s16], $0x800  }
0x55: {  	[sflag:s16] =	ssyncset.done $0x0  }
0x56: {  	[sflag:s16] =	ssyncadd.s32 $0xFFFFF800  }
0x57: {  	[spmem:s1] =	stream.indirect.scatter.add.f32 [tilespmem:s20], [sflag:$0x2], $0x80, s18, s19, $0xb8;
	[tilespmem:$0x18280] =	vst v63  }
0x58: {  	_ =	swait.ge [sflag:s13], $0x800  }
0x59: {  	[sflag:s13] =	ssyncset.done $0x0  }
0x5a: {  	s22 =	sadd.s32 $0x1, s22;
	[sflag:s13] =	ssyncadd.s32 $0xFFFFF800  }
0x5b: {  	s23 =	simm.s32 @!p1 $0x1C02;
	p2 =	sne.s32 s22, s8;
	[bflag:$0x0] =	sbarrier.arrive $0xFFFF  }
0x5c: {  	[hbm:s7], [sflag:s23] =	dma.local @!p1 [spmem:s21], $0x27100  }
.Ltmp1:
0x5d: {  	_ = 	snop;
	(pc) =	sbr.rel @p2 .LBB2_1-.Ltmp1, $4  }
0x5e: {  	s23 =	simm.s32 @!p1 $0x2  }
0x5f: {  	_ =	swait.ge @!p1 [sflag:s23], $0x27100  }
0x60: {  	[sflag:s23] =	ssyncset.done @!p1 $0x0  }
0x61: {  	[sflag:s23] =	ssyncadd.s32 @!p1 $0xFFFD8F00  }
0x62: {  	_ =	sfence.sel $0x180000  }
0x63: {  	[bflag:$0x0] =	sbarrier.arrive $0xFFFF  }
0x64: {  	_ =	strace $0x9000004D  }
0x65: {  	s0 =	sadd.s32 @!p1 $0x100000, s0;
	[bflag:$0x2] =	sbarrier.arrive $0xFFFF  }
0x66: {  	[sflag:s0] =	ssyncadd.tile.s32 @!p1 $0x1;
	_ =	shalt  }
.Lfunc_end2:
_tile_overlayer_lowered:
.L_overlay_start_2:
0x67: {  	(tag) =	ssettag $0x2  }
0x68: {  	s0 =	rddreg [dreg:$0x0];
	s2 =	stileid.u32  }
0x69: {  	s1 =	rddreg [dreg:$0x1];
	p0 =	sne.s32 s2, $0x0  }
0x6a: {  	s3 =	rddreg [dreg:$0x2];
	[bflag:$0x3] =	sbarrier.arrive $0xFFFF;
	s2 =	simm.s32 @!p0 $0x1C02  }
0x6b: {  	[timem:s3], [sflag:s2] =	dma.local @!p0 [hbm:s0], s1  }
0x6c: {  	s0 =	simm.s32 @!p0 $0x2  }
0x6d: {  	_ =	swait.ge @!p0 [sflag:s0], s1  }
0x6e: {  	s1 =	ssub.s32 @!p0 $0x0, s1;
	[sflag:s0] =	ssyncset.done @!p0 $0x0  }
0x6f: {  	[sflag:s0] =	ssyncadd.s32 @!p0 s1  }
0x70: {  	[bflag:$0x3] =	sbarrier.arrive $0xFFFF  }
0x71: {  	_ =	shalt  }

// kernel: kernel.8.cloned.1.call-start
scs
__scs_entry_jumppad:
0x0: {  	(pc) =	sbr.rel $0x88, $3  }
0x1: {  	(tag) =	ssettag $0x0;
	lr =	simm.s32 $0x1  }
0x2: {  	[smem:$0x3F8F] =	sst lr;
	_ =	strace $0xD0000000  }
0x3: {  	_ = 	snop  }
0x4: {  	_ = 	snop  }
0x5: {  	_ = 	snop  }
0x6: {  	_ = 	snop  }
0x7: {  	_ = 	snop  }
__scs_overlays_trampoline_lowered:
0x8: {  	[smem:$0x3F9E] =	sst s0  }
0x9: {  	[smem:$0x3F9F] =	sst s1  }
0xa: {  	[smem:$0x3FA0] =	sst s2  }
0xb: {  	[smem:$0x3FA1] =	sst s3  }
0xc: {  	[smem:$0x3FA2] =	sst s4  }
0xd: {  	[smem:$0x3FA3] =	sst s5  }
0xe: {  	[smem:$0x3FA4] =	sst s6  }
0xf: {  	[smem:$0x3FA5] =	sst s7  }
0x10: {  	[smem:$0x3FA6] =	sst s8  }
0x11: {  	[smem:$0x3FA7] =	sst s9;
	s0 =	simm.s32 @!p0 $0x0  }
0x12: {  	s1 =	sld [smem:$0x3F8D];
	s0 =	simm.s32 @p0 $0x1  }
0x13: {  	[smem:$0x3FA8] =	sst s0;
	s0 =	simm.s32 @!p1 $0x0  }
0x14: {  	s2 =	sld [smem:$0x3F8C];
	s0 =	simm.s32 @p1 $0x1  }
0x15: {  	[smem:$0x3FA9] =	sst s0;
	s0 =	simm.s32 @!p2 $0x0  }
0x16: {  	s3 =	sld [smem:$0x3FDB];
	s0 =	simm.s32 @p2 $0x1  }
0x17: {  	s4 =	simm.s32 $0x1BF5;
	[smem:$0x3FAB] =	sst s0  }
0x18: {  	s0 =	sld [smem:$0x3F8E];
	_ =	swait.ge [sflag:s4], $0x0  }
0x19: {  	s7 =	sld [smem:$0x3F8F]  }
0x1a: {  	s8 =	sadd.s32 $0xFFFFE003, lr  }
0x1b: {  	s9 =	sadd.s32 $0xFFFFFEF7, lr;
	s5 =	simm.s32 $0xFFFFFFFF;
	p2 =	slt.u32 s8, $0xFFFFF086  }
0x1c: {  	p1 =	slt.u32 s9, $0xF7A;
	s5 =	simm.s32 @!p2 $0x0  }
0x1d: {  	s5 =	simm.s32 @p1 $0x1;
	p0 =	seq.s32 s7, s2  }
0x1e: {  	s7 =	smul.u32 @!p0 $0xF7A, s2;
	p2 =	seq.s32 @!p0 s5, $0x0  }
0x1f: {  	s9 =	smul.u32 $0xF7A, s1;
	s8 =	simm.s32 @!p0 $0x1BF5;
	p2 =	por !p2, p0  }
0x20: {  	[sflag:s8] =	ssyncset.s32 @!p0 $0xFFFFF086;
	s6 =	sadd.s32 @!p0 s3, s7;
	s7 =	simm.s32 @!p0 $0x108  }
0x21: {  	s3 =	sadd.s32 s3, s9;
	s6 =	sadd.s32 @!p0 $0x88, s6;
	s7 =	simm.s32 @p2 $0x1082  }
0x22: {  	[simem:s7], [sflag:s8] =	dma.local @!p0 [hbm:s6], $0xF7A  }
0x23: {  	s9 =	sor.u32 $0xD0000000, s2;
	s6 =	simm.s32 $0x108;
	_ =	swait.ge @!p0 [sflag:s8], $0x0  }
0x24: {  	s3 =	sadd.s32 $0x88, s3;
	s6 =	simm.s32 @!p1 $0x1082;
	[sflag:s4] =	ssyncset.s32 $0xFFFFF086  }
0x25: {  	[simem:s6], [sflag:s4] =	dma.local [hbm:s3], $0xF7A  }
0x26: {  	[smem:$0x3F8F] =	sst s1;
	(tag) =	ssettag s2;
	_ =	strace s9  }
0x27: {  	s1 =	sld [smem:$0x3F9F]  }
0x28: {  	s2 =	sld [smem:$0x3FA0]  }
0x29: {  	s4 =	sld [smem:$0x3FA2]  }
0x2a: {  	p0 =	seq.s32 s5, $0x0;
	s5 =	sld [smem:$0x3FA3]  }
0x2b: {  	s6 =	sld [smem:$0x3FA4]  }
0x2c: {  	s7 =	sld [smem:$0x3FA5]  }
0x2d: {  	s3 =	simm.s32 $0x108;
	s8 =	sld [smem:$0x3FA6]  }
0x2e: {  	s3 =	simm.s32 @!p0 $0x1082;
	s9 =	sld [smem:$0x3FA7]  }
0x2f: {  	lr =	sadd.s32 s0, s3;
	s0 =	sld [smem:$0x3F9E]  }
0x30: {  	s3 =	sld [smem:$0x3FA1]  }
0x31: {  	[smem:$0x3FAA] =	sst s10  }
0x32: {  	s10 =	sld [smem:$0x3FA8];
	_ =	sdelay $0x3  }
0x33: {  	p0 =	seq.s32 s10, $0x1;
	s10 =	sld [smem:$0x3FAA];
	_ =	sdelay $0x3  }
0x34: {  	[smem:$0x3FAA] =	sst s10  }
0x35: {  	s10 =	sld [smem:$0x3FA9];
	_ =	sdelay $0x3  }
0x36: {  	p1 =	seq.s32 s10, $0x1;
	s10 =	sld [smem:$0x3FAA];
	_ =	sdelay $0x3  }
0x37: {  	[smem:$0x3FAA] =	sst s10  }
0x38: {  	s10 =	sld [smem:$0x3FAB]  }
0x39: {  	_ = 	snop;
	(pc) =	sbr.ind lr, $3  }
0x3a: {  	_ = 	snop  }
0x3b: {  	_ = 	snop  }
0x3c: {  	p2 =	seq.s32 s10, $0x1;
	s10 =	sld [smem:$0x3FAA]  }
0x3d: {  	_ =	shalt  }
0x3e: {  	_ =	shalt  }
0x3f: {  	_ =	shalt  }
0x40: {  	_ =	shalt  }
0x41: {  	_ =	shalt  }
0x42: {  	_ =	shalt  }
0x43: {  	_ =	shalt  }
0x44: {  	_ =	shalt  }
0x45: {  	_ =	shalt  }
0x46: {  	_ =	shalt  }
0x47: {  	_ =	shalt  }
0x48: {  	_ =	shalt  }
0x49: {  	_ =	shalt  }
0x4a: {  	_ =	shalt  }
0x4b: {  	_ =	shalt  }
0x4c: {  	_ =	shalt  }
0x4d: {  	_ =	shalt  }
0x4e: {  	_ =	shalt  }
0x4f: {  	_ =	shalt  }
0x50: {  	_ =	shalt  }
0x51: {  	_ =	shalt  }
0x52: {  	_ =	shalt  }
0x53: {  	_ =	shalt  }
0x54: {  	_ =	shalt  }
0x55: {  	_ =	shalt  }
0x56: {  	_ =	shalt  }
0x57: {  	_ =	shalt  }
0x58: {  	_ =	shalt  }
0x59: {  	_ =	shalt  }
0x5a: {  	_ =	shalt  }
0x5b: {  	_ =	shalt  }
0x5c: {  	_ =	shalt  }
0x5d: {  	_ =	shalt  }
0x5e: {  	_ =	shalt  }
0x5f: {  	_ =	shalt  }
0x60: {  	_ =	shalt  }
0x61: {  	_ =	shalt  }
0x62: {  	_ =	shalt  }
0x63: {  	_ =	shalt  }
0x64: {  	_ =	shalt  }
0x65: {  	_ =	shalt  }
0x66: {  	_ =	shalt  }
0x67: {  	_ =	shalt  }
0x68: {  	_ =	shalt  }
0x69: {  	_ =	shalt  }
0x6a: {  	_ =	shalt  }
0x6b: {  	_ =	shalt  }
0x6c: {  	_ =	shalt  }
0x6d: {  	_ =	shalt  }
0x6e: {  	_ =	shalt  }
0x6f: {  	_ =	shalt  }
0x70: {  	_ =	shalt  }
0x71: {  	_ =	shalt  }
0x72: {  	_ =	shalt  }
0x73: {  	_ =	shalt  }
0x74: {  	_ =	shalt  }
0x75: {  	_ =	shalt  }
0x76: {  	_ =	shalt  }
0x77: {  	_ =	shalt  }
0x78: {  	_ =	shalt  }
0x79: {  	_ =	shalt  }
0x7a: {  	_ =	shalt  }
0x7b: {  	_ =	shalt  }
0x7c: {  	_ =	shalt  }
0x7d: {  	_ =	shalt  }
0x7e: {  	_ =	shalt  }
0x7f: {  	_ =	shalt  }
0x80: {  	_ =	shalt  }
0x81: {  	_ =	shalt  }
0x82: {  	_ =	shalt  }
0x83: {  	_ =	shalt  }
0x84: {  	_ =	shalt  }
0x85: {  	_ =	shalt  }
0x86: {  	_ =	shalt  }
0x87: {  	_ =	shalt  }
.Lfunc_end0:
.L_simem_size_0:
called_computation_lowered:
.L_overlay_start_0:
0x88: {  	s2 =	sld [smem:$0x3FD9]  }
0x89: {  	s3 =	sld [smem:$0x3FFE];
	_ =	sdelay $0x1  }
0x8a: {  	s1 =	srdreg.scid  }
0x8b: {  	s0 =	sand.u32 $0x1, s1  }
0x8c: {  	s17 =	sshll.u32 s0, $0xA;
	s2 =	sadd.s32 s3, s2  }
0x8d: {  	s2 =	sadd.s32 s2, s17  }
0x8e: {  	[smem:$0x3FB6] =	sst s2  }
0x8f: {  	_ = 	snop  }
0x90: {  	s2 =	sld [smem:$0x3FC9];
	(tm) =	ssettm $0x1  }
0x91: {  	s18 =	sld [smem:$0x3FFB];
	_ =	sdelay $0x3  }
0x92: {  	_ =	strace s18  }
0x93: {  	s3 =	sld [smem:$0x3FFC];
	_ =	sdelay $0x3  }
0x94: {  	_ =	strace s3  }
0x95: {  	s3 =	sld [smem:$0x3FFD];
	_ =	sdelay $0x3  }
0x96: {  	_ =	strace s3  }
0x97: {  	_ =	strace $0x8FFFFFFF  }
0x98: {  	s19 =	sld [smem:$0x3FDB];
	_ =	sdelay $0x1  }
0x99: {  	s4 =	simm.s32 $_scs_section_size  }
0x9a: {  	s5 =	simm.s32 $_size__tile_overlayer_lowered;
	s6 =	simm.s32 $_tile_overlayer_lowered  }
0x9b: {  	s22 =	simm.s32 $0x1BFF;
	s21 =	sshll.u32 s6, $0x1;
	s3 =	sadd.s32 s4, s19  }
0x9c: {  	s7 =	simm.s32 $0x0;
	s20 =	sshll.u32 s5, $0x1;
	s5 =	sadd.s32 s21, s3  }
0x9d: {  	[timem:s7], [sflag:s22] =	dma.local [hbm:s5], s20  }
0x9e: {  	_ =	swait.ge [sflag:s22], s20  }
0x9f: {  	s4 =	ssub.s32 $0x0, s20;
	[sflag:s22] =	ssyncset.done $0x0  }
0xa0: {  	[sflag:s22] =	ssyncadd.s32 s4;
	_ =	sdelay $0x1  }
0xa1: {  	s23 =	simm.s32 $0x1B8B  }
0xa2: {  	_ =	swait.ge [sflag:s23], $0x1  }
0xa3: {  	[sflag:s23] =	ssyncset.done $0x0  }
0xa4: {  	s25 =	simm.s32 $0x1B8E;
	s24 =	sld [smem:$0x3FFE];
	[sflag:s23] =	ssyncadd.s32 $0xFFFFFFFF  }
0xa5: {  	s26 =	simm.s32 $execute0_lowered;
	[smem:$0x3FD2] =	sst s25  }
0xa6: {  	s5 =	sshll.u32 s26, $0x1;
	_ =	strace $0x80000046;
	[dreg:$0x1] =	wrdreg $0xFFFFFFFF  }
0xa7: {  	s28 =	simm.s32 $_size_execute0_lowered;
	s3 =	sadd.s32 s3, s5;
	[dreg:$0x0] =	wrdreg $0x0  }
0xa8: {  	s5 =	sshll.u32 s28, $0x1;
	[dreg:$0x2] =	wrdreg s3  }
0xa9: {  	[dreg:$0x3] =	wrdreg s5  }
0xaa: {  	[dreg:$0x4] =	wrdreg $0xC0  }
0xab: {  	_ =	task [dreg:s7], $0x5FFFF  }
0xac: {  	[dreg:$0x1] =	wrdreg $0xFFFFFFFF  }
0xad: {  	[dreg:$0x0] =	wrdreg $0x60  }
0xae: {  	[dreg:$0x2] =	wrdreg s2  }
0xaf: {  	[dreg:$0x3] =	wrdreg s24  }
0xb0: {  	[dreg:$0x4] =	wrdreg $0x4A000  }
0xb1: {  	[dreg:$0x5] =	wrdreg $0x9  }
0xb2: {  	_ =	task.clear_ibuf [dreg:s7], $0x6FFFF;
	_ =	strace $0x90000046  }
0xb3: {  	s29 =	simm.s32 $0x9;
	_ =	strace $0x80000048  }
0xb4: {  	_ =	swait.ge [sflag:s29], $0x1  }
0xb5: {  	[sflag:s29] =	ssyncadd.s32 $0xFFFFFFFF  }
0xb6: {  	_ =	strace $0x90000048  }
0xb7: {  	_ =	sfence  }
0xb8: {  	s30 =	sld [smem:$0x0];
	_ =	sdelay $0x2  }
0xb9: {  	s31 =	sshll.u32 s1, $0xD;
	s1 =	sshrl.u32 s1, $0x2  }
0xba: {  	s3 =	sand.u32 $0x4000, s31;
	s1 =	sadd.s32 s1, s30  }
0xbb: {  	s0 =	sor.u32 s3, s0;
	s1 =	sshll.u32 s1, $0x11  }
0xbc: {  	s0 =	sor.u32 s1, s0  }
0xbd: {  	s0 =	sadd.s32 $0x8F2B, s0  }
0xbe: {  	[sflag:s0] =	ssyncadd.remote.s32 $0x1  }
0xbf: {  	_ =	sfence.sel $0xFFFF  }
0xc0: {  	[dreg:$0x0] =	wrdreg $0xFFFFFFFF;
	(pc) =	sbr.abs _section_cstart, $3  }
0xc1: {  	[dreg:$0x1] =	wrdreg $0xFFFFFFFF  }
0xc2: {  	_ =	task.clear_ibuf [dreg:s7], $0x2FFFF;
	_ =	strace $0x9FFFFFFF  }
0xc3: {  	(tm) =	ssettm $0x7FFFFFFF  }
tec
execute0_lowered:
.L_overlay_start_1:
0x0: {  	(tag) =	ssettag $0x1  }
0x1: {  	s1 =	rddreg [dreg:$0x0]  }
0x2: {  	s4 =	rddreg [dreg:$0x1]  }
0x3: {  	s2 =	rddreg [dreg:$0x2]  }
0x4: {  	s0 =	rddreg [dreg:$0x3];
	s3 =	simm.s32 $0x0  }
0x5: {  	s17 =	stileid.u32;
	s5 =	srdreg.scid;
	s15 =	simm.s32 $0x100  }
0x6: {  	s16 =	simm.s32 $0x1;
	s18 =	simm.s32 $0x4180;
	s19 =	simm.s32 $0x10  }
0x7: {  	s20 =	simm.s32 $0x4200;
	s22 =	simm.s32 $0x0;
	[smem:$0x7FF] =	sst s3  }
0x8: {  	s6 =	smul.u32 $0x3E80, s17;
	s5 =	sand.u32 $0x1, s5;
	s10 =	sadd.s32 $0xD400, s4  }
0x9: {  	s8 =	sshll.u32 s17, $0x1;
	s11 =	smul.u32 $0x7D000, s17;
	s12 =	sadd.s32 $0x3600, s4  }
0xa: {  	s31 =	smul.u32 $0x4E20, s17;
	p0 =	sgt.u32 s17, $0x9;
	p1 =	sne.s32 s17, $0x0  }
0xb: {  	_ =	strace $0x80000047;
	s7 =	smul.u32 $0x27100, s5;
	s9 =	ssub.s32 $0x2, s5  }
0xc: {  	s8 =	sor.u32 s5, s8;
	s14 =	smul.u32 $0x2710, s5;
	s21 =	sshrl.u32 @!p1 s2, $0x3  }
0xd: {  	s13 =	sshrl.u32 s9, $0x1;
	s8 =	smul.u32 $0x2710, s8;
	s6 =	sadd.s32 s6, s4  }
0xe: {  	s30 =	sshrl.u32 s11, $0x2;
	s7 =	sadd.s32 s7, s4;
	s9 =	ssub.s32 s9, s13  }
0xf: {  	s13 =	sadd.s32 s30, s2;
	s4 =	sadd.s32 $0x17200, s6;
	s11 =	sadd.s32 s14, s31  }
0x10: {  	s14 =	sshll.u32 @!p0 s17, $0x6;
	s17 =	simm.s32 $0x4100;
	s8 =	sshrl.u32 s8, $0x3  }
0x11: {  	s7 =	sadd.s32 $0x3E400, s7;
	s11 =	sshrl.u32 s11, $0x3;
	s8 =	sadd.s32 $0x4E0, s8  }
0x12: {  	s5 =	sadd.s32 s10, s8;
	s6 =	sadd.s32 s12, s8;
	s8 =	smax.u32 s9, $0x1  }
0x13: {  	s9 =	sadd.s32 s11, s12;
	s10 =	sadd.s32 s11, s10;
	s11 =	sor.u32 @!p0 $0x1C02, s14  }
0x14: {  	s12 =	sshrl.u32 @!p0 s13, $0x3;
	s13 =	simm.s32 $0x2;
	s14 =	simm.s32 $0x80  }
.LBB2_1:
0x15: {  	[spmem:s12], [sflag:s11] =	dma.local @!p0 [hbm:s4], $0x3E80  }
0x16: {  	s23 =	simm.s32 @!p0 $0x2  }
0x17: {  	_ =	swait.ge @!p0 [sflag:s23], $0x3E80  }
0x18: {  	[sflag:s23] =	ssyncset.done @!p0 $0x0  }
0x19: {  	[sflag:s23] =	ssyncadd.s32 @!p0 $0xFFFFC180  }
0x1a: {  	s30 =	sadd.s32 $0x0, s10;
	[bflag:$0x0] =	sbarrier.arrive $0xFFFF  }
0x1b: {  	[tilespmem:s3], [sflag:$0x2] =	stream.linear.gather [hbm4b:s30+s3], $0x80, $0x38;
	[tilespmem:$0x18280] =	vst v63  }
0x1c: {  	_ =	swait.ge [sflag:s13], $0x80  }
0x1d: {  	[sflag:s13] =	ssyncset.done $0x0  }
0x1e: {  	s31 =	sadd.s32 $0x0, s9;
	[sflag:s13] =	ssyncadd.s32 $0xFFFFFF80  }
0x1f: {  	[tilespmem:s14], [sflag:$0x2] =	stream.linear.gather [hbm4b:s31+s3], $0x80, $0x38;
	[tilespmem:$0x18280] =	vst v63  }
0x20: {  	_ =	swait.ge [sflag:s13], $0x80  }
0x21: {  	[sflag:s13] =	ssyncset.done $0x0  }
0x22: {  	[sflag:s13] =	ssyncadd.s32 $0xFFFFFF80  }
0x23: {  	[tilespmem:s15], [sflag:$0x1] =	stream.indirect.gather [hbm4b:s1+s14], $0x80, s3, s14, $0xb8;
	[tilespmem:$0x18280] =	vst v63  }
0x24: {  	_ =	swait.ge [sflag:s16], $0x4000  }
0x25: {  	[sflag:s16] =	ssyncset.done $0x0  }
0x26: {  	[sflag:s16] =	ssyncadd.s32 $0xFFFFC000  }
0x27: {  	[spmem:s2] =	stream.indirect.scatter.add.f32 [tilespmem:s15], [sflag:$0x2], $0x80, s14, s14, $0xb8;
	[tilespmem:$0x18280] =	vst v63  }
0x28: {  	_ =	swait.ge [sflag:s13], $0x4000  }
0x29: {  	s24 =	simm.s32 $0x20;
	s23 =	simm.s32 $0x10;
	[sflag:s13] =	ssyncset.done $0x0  }
.LBB2_2:
0x2a: {  	s25 =	sadd.s32 s23, s10  }
0x2b: {  	[sflag:s13] =	ssyncadd.s32 $0xFFFFC000;
	s26 =	smov.u32 s24;
	s28 =	sadd.s32 $0x10, s24  }
0x2c: {  	[tilespmem:s3], [sflag:$0x2] =	stream.linear.gather [hbm4b:s25+s3], $0x80, $0x38;
	[tilespmem:$0x18280] =	vst v63  }
0x2d: {  	p2 =	sne.s32 s24, $0x4D0;
	_ =	swait.ge [sflag:s13], $0x80  }
0x2e: {  	[sflag:s13] =	ssyncset.done $0x0  }
0x2f: {  	s24 =	sadd.s32 s23, s9;
	s23 =	smov.u32 s26;
	[sflag:s13] =	ssyncadd.s32 $0xFFFFFF80  }
0x30: {  	[tilespmem:s14], [sflag:$0x2] =	stream.linear.gather [hbm4b:s24+s3], $0x80, $0x38;
	[tilespmem:$0x18280] =	vst v63  }
0x31: {  	_ =	swait.ge [sflag:s13], $0x80  }
0x32: {  	[sflag:s13] =	ssyncset.done $0x0  }
0x33: {  	[sflag:s13] =	ssyncadd.s32 $0xFFFFFF80  }
0x34: {  	[tilespmem:s15], [sflag:$0x1] =	stream.indirect.gather [hbm4b:s1+s14], $0x80, s3, s14, $0xb8;
	[tilespmem:$0x18280] =	vst v63  }
0x35: {  	_ =	swait.ge [sflag:s16], $0x4000  }
.Ltmp0:
0x36: {  	[sflag:s16] =	ssyncset.done $0x0;
	(pc) =	sbr.rel @p2 .LBB2_2-.Ltmp0, $4  }
0x37: {  	[sflag:s16] =	ssyncadd.s32 $0xFFFFC000  }
0x38: {  	[spmem:s2] =	stream.indirect.scatter.add.f32 [tilespmem:s15], [sflag:$0x2], $0x80, s14, s14, $0xb8;
	[tilespmem:$0x18280] =	vst v63  }
0x39: {  	_ =	swait.ge [sflag:s13], $0x4000  }
0x3a: {  	s24 =	smov.u32 s28;
	[sflag:s13] =	ssyncset.done $0x0  }
0x3b: {  	s24 =	sadd.s32 s23, s10;
	[sflag:s13] =	ssyncadd.s32 $0xFFFFC000  }
0x3c: {  	[tilespmem:s3], [sflag:$0x2] =	stream.linear.gather [hbm4b:s24+s3], $0x80, $0x38;
	[tilespmem:$0x18280] =	vst v63  }
0x3d: {  	_ =	swait.ge [sflag:s13], $0x80  }
0x3e: {  	[sflag:s13] =	ssyncset.done $0x0  }
0x3f: {  	s31 =	sadd.s32 s23, s9;
	[sflag:s13] =	ssyncadd.s32 $0xFFFFFF80  }
0x40: {  	[tilespmem:s14], [sflag:$0x2] =	stream.linear.gather [hbm4b:s31+s3], $0x80, $0x38;
	[tilespmem:$0x18280] =	vst v63  }
0x41: {  	_ =	swait.ge [sflag:s13], $0x80  }
0x42: {  	[sflag:s13] =	ssyncset.done $0x0  }
0x43: {  	[sflag:s13] =	ssyncadd.s32 $0xFFFFFF80  }
0x44: {  	[tilespmem:s15], [sflag:$0x1] =	stream.indirect.gather [hbm4b:s1+s14], $0x80, s3, s14, $0xb8;
	[tilespmem:$0x18280] =	vst v63  }
0x45: {  	_ =	swait.ge [sflag:s16], $0x4000  }
0x46: {  	[sflag:s16] =	ssyncset.done $0x0  }
0x47: {  	[sflag:s16] =	ssyncadd.s32 $0xFFFFC000  }
0x48: {  	[spmem:s2] =	stream.indirect.scatter.add.f32 [tilespmem:s15], [sflag:$0x2], $0x80, s14, s14, $0xb8;
	[tilespmem:$0x18280] =	vst v63  }
0x49: {  	_ =	swait.ge [sflag:s13], $0x4000  }
0x4a: {  	[sflag:s13] =	ssyncset.done $0x0  }
0x4b: {  	[sflag:s13] =	ssyncadd.s32 $0xFFFFC000  }
0x4c: {  	[tilespmem:s17], [sflag:$0x2] =	stream.linear.gather [hbm4b:s5+s3], $0x10, $0x38;
	[tilespmem:$0x18280] =	vst v63  }
0x4d: {  	_ =	swait.ge [sflag:s13], $0x10  }
0x4e: {  	[sflag:s13] =	ssyncset.done $0x0  }
0x4f: {  	[sflag:s13] =	ssyncadd.s32 $0xFFFFFFF0  }
0x50: {  	[tilespmem:s18], [sflag:$0x2] =	stream.linear.gather [hbm4b:s6+s3], $0x10, $0x38;
	[tilespmem:$0x18280] =	vst v63  }
0x51: {  	_ =	swait.ge [sflag:s13], $0x10  }
0x52: {  	[sflag:s13] =	ssyncset.done $0x0  }
0x53: {  	[sflag:s13] =	ssyncadd.s32 $0xFFFFFFF0  }
0x54: {  	[tilespmem:s20], [sflag:$0x1] =	stream.indirect.gather [hbm4b:s1+s19], $0x80, s17, s19, $0xb8;
	[tilespmem:$0x18280] =	vst v63  }
0x55: {  	_ =	swait.ge [sflag:s16], $0x800  }
0x56: {  	[sflag:s16] =	ssyncset.done $0x0  }
0x57: {  	[sflag:s16] =	ssyncadd.s32 $0xFFFFF800  }
0x58: {  	[spmem:s2] =	stream.indirect.scatter.add.f32 [tilespmem:s20], [sflag:$0x2], $0x80, s18, s19, $0xb8;
	[tilespmem:$0x18280] =	vst v63  }
0x59: {  	_ =	swait.ge [sflag:s13], $0x800  }
0x5a: {  	[sflag:s13] =	ssyncset.done $0x0  }
0x5b: {  	s22 =	sadd.s32 $0x1, s22;
	[sflag:s13] =	ssyncadd.s32 $0xFFFFF800  }
0x5c: {  	s23 =	simm.s32 @!p1 $0x1C02;
	p2 =	sne.s32 s22, s8;
	[bflag:$0x0] =	sbarrier.arrive $0xFFFF  }
0x5d: {  	[hbm:s7], [sflag:s23] =	dma.local @!p1 [spmem:s21], $0x27100  }
.Ltmp1:
0x5e: {  	_ = 	snop;
	(pc) =	sbr.rel @p2 .LBB2_1-.Ltmp1, $4  }
0x5f: {  	s23 =	simm.s32 @!p1 $0x2  }
0x60: {  	_ =	swait.ge @!p1 [sflag:s23], $0x27100  }
0x61: {  	[sflag:s23] =	ssyncset.done @!p1 $0x0  }
0x62: {  	[sflag:s23] =	ssyncadd.s32 @!p1 $0xFFFD8F00  }
0x63: {  	_ =	sfence.sel $0x180000  }
0x64: {  	[bflag:$0x0] =	sbarrier.arrive $0xFFFF  }
0x65: {  	_ =	strace $0x90000047  }
0x66: {  	s0 =	sadd.s32 @!p1 $0x100000, s0;
	[bflag:$0x2] =	sbarrier.arrive $0xFFFF  }
0x67: {  	[sflag:s0] =	ssyncadd.tile.s32 @!p1 $0x1;
	_ =	shalt  }
.Lfunc_end2:
_tile_overlayer_lowered:
.L_overlay_start_2:
0x68: {  	(tag) =	ssettag $0x2  }
0x69: {  	s0 =	rddreg [dreg:$0x0];
	s2 =	stileid.u32  }
0x6a: {  	s1 =	rddreg [dreg:$0x1];
	p0 =	sne.s32 s2, $0x0  }
0x6b: {  	s3 =	rddreg [dreg:$0x2];
	[bflag:$0x3] =	sbarrier.arrive $0xFFFF;
	s2 =	simm.s32 @!p0 $0x1C02  }
0x6c: {  	[timem:s3], [sflag:s2] =	dma.local @!p0 [hbm:s0], s1  }
0x6d: {  	s0 =	simm.s32 @!p0 $0x2  }
0x6e: {  	_ =	swait.ge @!p0 [sflag:s0], s1  }
0x6f: {  	s1 =	ssub.s32 @!p0 $0x0, s1;
	[sflag:s0] =	ssyncset.done @!p0 $0x0  }
0x70: {  	[sflag:s0] =	ssyncadd.s32 @!p0 s1  }
0x71: {  	[bflag:$0x3] =	sbarrier.arrive $0xFFFF  }
0x72: {  	_ =	shalt  }

</sc_bundles>
